<compile_context>
chip_gen: v7x
topology: tpu7x:2x2x1
jax: 0.10.2.dev20260603
libtpu: 0.0.44.dev20260713+nightly
codegen_flags: <defaults>
</compile_context>

<pallas_src>
import functools

import jax
import jax.numpy as jnp
from jax import lax
from jax.experimental import pallas as pl
from jax.experimental.pallas import tpu as pltpu
from jax.experimental.pallas import tpu_sc as plsc

N_NODES = 10000
IN_DIM = 128
HID = 64
NC = 2
NS = 16
NW = NC * NS
CHUNK = 128
N_PAD = 10240
ROWS_PER_TILE = N_PAD // NS


def _sc_scatter_body(n_chunks, gather_table, src_hbm, dst_hbm, table_hbm,
                     zeros_hbm, ones_hbm, out_hbm, acc_sh, idx_s, idx_d,
                     rows, sem):
    c = lax.axis_index("c")
    s = lax.axis_index("s")
    wid = s * NC + c

    pltpu.sync_copy(zeros_hbm, rows)
    for k in range(ROWS_PER_TILE // CHUNK):
        pltpu.sync_copy(
            rows, acc_sh.at[pl.ds(s * ROWS_PER_TILE + k * CHUNK, CHUNK)])
    plsc.subcore_barrier()

    pltpu.sync_copy(dst_hbm.at[pl.ds(wid * n_chunks, n_chunks)], idx_d)
    if gather_table:
        pltpu.sync_copy(src_hbm.at[pl.ds(wid * n_chunks, n_chunks)], idx_s)
    else:
        pltpu.sync_copy(ones_hbm, rows)

    def body(j, carry):
        if gather_table:
            pltpu.async_copy(table_hbm.at[idx_s.at[j]], rows, sem).wait()
        pltpu.sync_copy(rows, acc_sh.at[idx_d.at[j]], add=True)
        return carry

    lax.fori_loop(0, n_chunks, body, 0)
    plsc.subcore_barrier()

    for k in range(ROWS_PER_TILE // CHUNK):
        sl = pl.ds(s * ROWS_PER_TILE + k * CHUNK, CHUNK)
        pltpu.sync_copy(acc_sh.at[sl], rows)
        pltpu.sync_copy(rows, out_hbm.at[c, sl])


def _make_sc_call(n_chunks, width, gather_table):
    mesh = plsc.VectorSubcoreMesh(core_axis_name="c", subcore_axis_name="s")
    return pl.kernel(
        functools.partial(_sc_scatter_body, n_chunks, gather_table),
        out_type=jax.ShapeDtypeStruct((NC, N_PAD, width), jnp.float32),
        mesh=mesh,
        scratch_types=[
            pltpu.VMEM_SHARED((N_PAD, width), jnp.float32),
            pltpu.VMEM((n_chunks, CHUNK), jnp.int32),
            pltpu.VMEM((n_chunks, CHUNK), jnp.int32),
            pltpu.VMEM((CHUNK, width), jnp.float32),
            pltpu.SemaphoreType.DMA,
        ],
        compiler_params=pltpu.CompilerParams(use_tc_tiling_on_sc=False),
    )


def _dense1_body(degp_ref, x_ref, w1_ref, g_ref, dis_ref):
    deg = degp_ref[0, :, 0:1] + degp_ref[1, :, 0:1] + 1.0
    dis = lax.rsqrt(deg)[:N_NODES, :]
    h = jnp.dot(x_ref[...], w1_ref[...], preferred_element_type=jnp.float32)
    g_ref[...] = h * dis
    dis_ref[...] = dis


def _dense2_body(acc_ref, dis_ref, g1_ref, b1_ref, w2_ref, g2_ref):
    dis = dis_ref[...]
    s = acc_ref[0, :N_NODES, :] + acc_ref[1, :N_NODES, :] + g1_ref[...]
    r = jnp.maximum(s * dis + b1_ref[...], 0.0)
    h2 = jnp.dot(r, w2_ref[...], preferred_element_type=jnp.float32)
    g2_ref[...] = h2 * dis


def _dense3_body(acc_ref, dis_ref, g2_ref, b2_ref, wc_ref, bc_ref, out_ref):
    s = acc_ref[0, :N_NODES, :] + acc_ref[1, :N_NODES, :] + g2_ref[...]
    h = s * dis_ref[...] + b2_ref[...]
    out_ref[...] = (
        jnp.dot(h, wc_ref[...], preferred_element_type=jnp.float32)
        + bc_ref[...])


def kernel(x, edge_index, W1, b1, W2, b2, Wc, bc):
    src = edge_index[0].astype(jnp.int32)
    dst = edge_index[1].astype(jnp.int32)
    n_edges = src.shape[0]
    n_chunks = -(-n_edges // (NW * CHUNK))
    n_chunks = -(-n_chunks // 8) * 8
    e_pad = NW * n_chunks * CHUNK
    src_p = jnp.concatenate(
        [src, jnp.zeros((e_pad - n_edges,), jnp.int32)]).reshape(-1, CHUNK)
    dst_p = jnp.concatenate(
        [dst, jnp.full((e_pad - n_edges,), N_NODES, jnp.int32)]
    ).reshape(-1, CHUNK)

    zeros16 = jnp.zeros((CHUNK, 16), jnp.float32)
    ones16 = jnp.ones((CHUNK, 16), jnp.float32)
    zeros64 = jnp.zeros((CHUNK, HID), jnp.float32)

    deg_call = _make_sc_call(n_chunks, 16, gather_table=False)
    prop_call = _make_sc_call(n_chunks, HID, gather_table=True)

    degp = deg_call(src_p, dst_p, zeros16, zeros16, ones16)

    g1, dis = pl.pallas_call(
        _dense1_body,
        out_shape=(jax.ShapeDtypeStruct((N_NODES, HID), jnp.float32),
                   jax.ShapeDtypeStruct((N_NODES, 1), jnp.float32)),
    )(degp, x, W1)

    acc1 = prop_call(src_p, dst_p, g1, zeros64, zeros64)

    g2 = pl.pallas_call(
        _dense2_body,
        out_shape=jax.ShapeDtypeStruct((N_NODES, HID), jnp.float32),
    )(acc1, dis, g1, b1.reshape(1, HID), W2)

    acc2 = prop_call(src_p, dst_p, g2, zeros64, zeros64)

    out = pl.pallas_call(
        _dense3_body,
        out_shape=jax.ShapeDtypeStruct((N_NODES, 1), jnp.float32),
    )(acc2, dis, g2, b2.reshape(1, HID), Wc, bc.reshape(1, 1))
    return out

# --- scband reference (transcript-rebuilt; emitter-appended) ---
"""Pipeline reference for scband-graph-neural-network-33964601377430 (READ-ONLY COPY).

The authoritative reference and input builder live on the scoring server;
editing this copy changes nothing except your own understanding.
"""

import jax, jax.numpy as jnp
import numpy as np

N_NODES = 10000
N_EDGES = 320000
IN_DIM = 128
HID_DIM = 64


def gcn_conv(x, edge_index, W, b):
    n = x.shape[0]
    src = edge_index[0]
    dst = edge_index[1]
    # add self-loops (PyG GCNConv default add_self_loops=True)
    loop = jnp.arange(n, dtype=edge_index.dtype)
    src = jnp.concatenate([src, loop])
    dst = jnp.concatenate([dst, loop])
    # symmetric normalization deg^{-1/2} A_hat deg^{-1/2}
    deg = jnp.zeros((n,), dtype=x.dtype).at[dst].add(1.0)
    deg_inv_sqrt = jnp.where(deg > 0, jax.lax.rsqrt(jnp.maximum(deg, 1e-12)), 0.0)
    norm = deg_inv_sqrt[src] * deg_inv_sqrt[dst]
    # linear transform then propagate (gather from src, scatter-add to dst)
    h = x @ W
    msg = h[src] * norm[:, None]
    out = jnp.zeros((n, W.shape[1]), dtype=x.dtype).at[dst].add(msg)
    return out + b


def setup_inputs(seed: int = 0) -> dict:
    key = jax.random.key(seed)
    ks = jax.random.split(key, 8)
    x = jax.random.normal(ks[0], (N_NODES, IN_DIM), dtype=jnp.float32)
    edge_index = jax.random.randint(ks[1], (2, N_EDGES), 0, N_NODES, dtype=jnp.int64)
    W1 = jax.random.normal(ks[2], (IN_DIM, HID_DIM), dtype=jnp.float32) * (1.0 / np.sqrt(IN_DIM))
    b1 = jnp.zeros((HID_DIM,), dtype=jnp.float32)
    W2 = jax.random.normal(ks[3], (HID_DIM, HID_DIM), dtype=jnp.float32) * (1.0 / np.sqrt(HID_DIM))
    b2 = jnp.zeros((HID_DIM,), dtype=jnp.float32)
    Wc = jax.random.normal(ks[4], (HID_DIM, 1), dtype=jnp.float32) * (1.0 / np.sqrt(HID_DIM))
    bc = jnp.zeros((1,), dtype=jnp.float32)
    return {"x": x, "edge_index": edge_index, "W1": W1, "b1": b1, "W2": W2, "b2": b2, "Wc": Wc, "bc": bc}


def reference(x, edge_index, W1, b1, W2, b2, Wc, bc):
    h = gcn_conv(x, edge_index, W1, b1)
    h = jax.nn.relu(h)
    h = gcn_conv(h, edge_index, W2, b2)
    out = h @ Wc + bc
    return out

if __name__ == "__main__":
    import jax
    _d = setup_inputs()
    print(jax.jit(kernel)(*tuple(_d.values())))

</pallas_src>

<mosaic_0001>
#map = affine_map<(d0, d1) -> (0, 0)>
#map1 = affine_map<(d0, d1) -> (0, 0, 0)>
module attributes {stable_mosaic.version = 14 : i64} {
  func.func @_sc_scatter_body(%arg0: i32, %arg1: i32, %arg2: memref<2560x128xi32, #tpu.memory_space<hbm>>, %arg3: memref<2560x128xi32, #tpu.memory_space<hbm>>, %arg4: memref<10000x64xf32, #tpu.memory_space<hbm>>, %arg5: memref<128x64xf32, #tpu.memory_space<hbm>>, %arg6: memref<128x64xf32, #tpu.memory_space<hbm>>, %arg7: memref<2x10240x64xf32, #tpu.memory_space<hbm>>, %arg8: memref<10240x64xf32, #tpu.memory_space<vmem_shared>>, %arg9: memref<80x128xi32, #tpu.memory_space<vmem>>, %arg10: memref<80x128xi32, #tpu.memory_space<vmem>>, %arg11: memref<128x64xf32, #tpu.memory_space<vmem>>, %arg12: memref<!tpu.dma_semaphore, #tpu.memory_space<semaphore_mem>>) attributes {dimension_semantics = [#tpu.dimension_semantics<core_parallel>, #tpu.dimension_semantics<subcore_parallel>], iteration_bounds = array<i64: 2, 16>, scalar_prefetch = 0 : i64, scratch_operands = 5 : i64, tpu.core_type = #tpu.core_type<sc_vector_subcore>, window_params = [{transform_indices = #map}, {transform_indices = #map}, {transform_indices = #map}, {transform_indices = #map}, {transform_indices = #map}, {transform_indices = #map1}]} {
    %mul3A = arith.constant 2 : i32
    %mul3A_0 = arith.muli %arg1, %mul3A : i32
    %add3A = arith.addi %mul3A_0, %arg0 : i32
    "tpu.region"() ({
      %run_scoped3A = tpu.sem_alloc : memref<!tpu.dma_semaphore, #tpu.memory_space<semaphore_mem>>
      tpu.enqueue_dma source(%arg5 : memref<128x64xf32, #tpu.memory_space<hbm>>) target(%arg11 : memref<128x64xf32, #tpu.memory_space<vmem>>) target_semaphore(%run_scoped3A : memref<!tpu.dma_semaphore, #tpu.memory_space<semaphore_mem>>)
      tpu.wait_dma2 semaphore(%run_scoped3A : memref<!tpu.dma_semaphore, #tpu.memory_space<semaphore_mem>>) src(%arg5 : memref<128x64xf32, #tpu.memory_space<hbm>>) dst(%arg11 : memref<128x64xf32, #tpu.memory_space<vmem>>)
      tpu.yield
    }) : () -> ()
    %mul3A_1 = arith.constant 640 : i32
    %mul3A_2 = arith.muli %arg1, %mul3A_1 : i32
    %add3A_3 = arith.constant 0 : i32
    %add3A_4 = arith.addi %mul3A_2, %add3A_3 : i32
    "tpu.region"() ({
      %run_scoped3A = tpu.sem_alloc : memref<!tpu.dma_semaphore, #tpu.memory_space<semaphore_mem>>
      %dma_start3A = arith.constant 0 : i32
      %dma_start3A_51 = tpu.memref_slice %arg8[%add3A_4, %dma_start3A] : memref<10240x64xf32, #tpu.memory_space<vmem_shared>> -> memref<128x64xf32, #tpu.memory_space<vmem_shared>>
      %dma_start3A_52 = arith.constant 0 : i32
      %dma_start3A_53 = tpu.memref_slice %arg8[%add3A_4, %dma_start3A_52] : memref<10240x64xf32, #tpu.memory_space<vmem_shared>> -> memref<128x64xf32, #tpu.memory_space<vmem_shared>>
      tpu.enqueue_dma source(%arg11 : memref<128x64xf32, #tpu.memory_space<vmem>>) target(%dma_start3A_53 : memref<128x64xf32, #tpu.memory_space<vmem_shared>>) target_semaphore(%run_scoped3A : memref<!tpu.dma_semaphore, #tpu.memory_space<semaphore_mem>>)
      %dma_wait3A = arith.constant 0 : i32
      %dma_wait3A_54 = tpu.memref_slice %arg8[%add3A_4, %dma_wait3A] : memref<10240x64xf32, #tpu.memory_space<vmem_shared>> -> memref<128x64xf32, #tpu.memory_space<vmem_shared>>
      %dma_wait3A_55 = arith.constant 0 : i32
      %dma_wait3A_56 = tpu.memref_slice %arg8[%add3A_4, %dma_wait3A_55] : memref<10240x64xf32, #tpu.memory_space<vmem_shared>> -> memref<128x64xf32, #tpu.memory_space<vmem_shared>>
      tpu.wait_dma2 semaphore(%run_scoped3A : memref<!tpu.dma_semaphore, #tpu.memory_space<semaphore_mem>>) src(%arg11 : memref<128x64xf32, #tpu.memory_space<vmem>>) dst(%dma_wait3A_56 : memref<128x64xf32, #tpu.memory_space<vmem_shared>>)
      tpu.yield
    }) : () -> ()
    %mul3A_5 = arith.constant 640 : i32
    %mul3A_6 = arith.muli %arg1, %mul3A_5 : i32
    %add3A_7 = arith.constant 128 : i32
    %add3A_8 = arith.addi %mul3A_6, %add3A_7 : i32
    "tpu.region"() ({
      %run_scoped3A = tpu.sem_alloc : memref<!tpu.dma_semaphore, #tpu.memory_space<semaphore_mem>>
      %dma_start3A = arith.constant 0 : i32
      %dma_start3A_51 = tpu.memref_slice %arg8[%add3A_8, %dma_start3A] : memref<10240x64xf32, #tpu.memory_space<vmem_shared>> -> memref<128x64xf32, #tpu.memory_space<vmem_shared>>
      %dma_start3A_52 = arith.constant 0 : i32
      %dma_start3A_53 = tpu.memref_slice %arg8[%add3A_8, %dma_start3A_52] : memref<10240x64xf32, #tpu.memory_space<vmem_shared>> -> memref<128x64xf32, #tpu.memory_space<vmem_shared>>
      tpu.enqueue_dma source(%arg11 : memref<128x64xf32, #tpu.memory_space<vmem>>) target(%dma_start3A_53 : memref<128x64xf32, #tpu.memory_space<vmem_shared>>) target_semaphore(%run_scoped3A : memref<!tpu.dma_semaphore, #tpu.memory_space<semaphore_mem>>)
      %dma_wait3A = arith.constant 0 : i32
      %dma_wait3A_54 = tpu.memref_slice %arg8[%add3A_8, %dma_wait3A] : memref<10240x64xf32, #tpu.memory_space<vmem_shared>> -> memref<128x64xf32, #tpu.memory_space<vmem_shared>>
      %dma_wait3A_55 = arith.constant 0 : i32
      %dma_wait3A_56 = tpu.memref_slice %arg8[%add3A_8, %dma_wait3A_55] : memref<10240x64xf32, #tpu.memory_space<vmem_shared>> -> memref<128x64xf32, #tpu.memory_space<vmem_shared>>
      tpu.wait_dma2 semaphore(%run_scoped3A : memref<!tpu.dma_semaphore, #tpu.memory_space<semaphore_mem>>) src(%arg11 : memref<128x64xf32, #tpu.memory_space<vmem>>) dst(%dma_wait3A_56 : memref<128x64xf32, #tpu.memory_space<vmem_shared>>)
      tpu.yield
    }) : () -> ()
    %mul3A_9 = arith.constant 640 : i32
    %mul3A_10 = arith.muli %arg1, %mul3A_9 : i32
    %add3A_11 = arith.constant 256 : i32
    %add3A_12 = arith.addi %mul3A_10, %add3A_11 : i32
    "tpu.region"() ({
      %run_scoped3A = tpu.sem_alloc : memref<!tpu.dma_semaphore, #tpu.memory_space<semaphore_mem>>
      %dma_start3A = arith.constant 0 : i32
      %dma_start3A_51 = tpu.memref_slice %arg8[%add3A_12, %dma_start3A] : memref<10240x64xf32, #tpu.memory_space<vmem_shared>> -> memref<128x64xf32, #tpu.memory_space<vmem_shared>>
      %dma_start3A_52 = arith.constant 0 : i32
      %dma_start3A_53 = tpu.memref_slice %arg8[%add3A_12, %dma_start3A_52] : memref<10240x64xf32, #tpu.memory_space<vmem_shared>> -> memref<128x64xf32, #tpu.memory_space<vmem_shared>>
      tpu.enqueue_dma source(%arg11 : memref<128x64xf32, #tpu.memory_space<vmem>>) target(%dma_start3A_53 : memref<128x64xf32, #tpu.memory_space<vmem_shared>>) target_semaphore(%run_scoped3A : memref<!tpu.dma_semaphore, #tpu.memory_space<semaphore_mem>>)
      %dma_wait3A = arith.constant 0 : i32
      %dma_wait3A_54 = tpu.memref_slice %arg8[%add3A_12, %dma_wait3A] : memref<10240x64xf32, #tpu.memory_space<vmem_shared>> -> memref<128x64xf32, #tpu.memory_space<vmem_shared>>
      %dma_wait3A_55 = arith.constant 0 : i32
      %dma_wait3A_56 = tpu.memref_slice %arg8[%add3A_12, %dma_wait3A_55] : memref<10240x64xf32, #tpu.memory_space<vmem_shared>> -> memref<128x64xf32, #tpu.memory_space<vmem_shared>>
      tpu.wait_dma2 semaphore(%run_scoped3A : memref<!tpu.dma_semaphore, #tpu.memory_space<semaphore_mem>>) src(%arg11 : memref<128x64xf32, #tpu.memory_space<vmem>>) dst(%dma_wait3A_56 : memref<128x64xf32, #tpu.memory_space<vmem_shared>>)
      tpu.yield
    }) : () -> ()
    %mul3A_13 = arith.constant 640 : i32
    %mul3A_14 = arith.muli %arg1, %mul3A_13 : i32
    %add3A_15 = arith.constant 384 : i32
    %add3A_16 = arith.addi %mul3A_14, %add3A_15 : i32
    "tpu.region"() ({
      %run_scoped3A = tpu.sem_alloc : memref<!tpu.dma_semaphore, #tpu.memory_space<semaphore_mem>>
      %dma_start3A = arith.constant 0 : i32
      %dma_start3A_51 = tpu.memref_slice %arg8[%add3A_16, %dma_start3A] : memref<10240x64xf32, #tpu.memory_space<vmem_shared>> -> memref<128x64xf32, #tpu.memory_space<vmem_shared>>
      %dma_start3A_52 = arith.constant 0 : i32
      %dma_start3A_53 = tpu.memref_slice %arg8[%add3A_16, %dma_start3A_52] : memref<10240x64xf32, #tpu.memory_space<vmem_shared>> -> memref<128x64xf32, #tpu.memory_space<vmem_shared>>
      tpu.enqueue_dma source(%arg11 : memref<128x64xf32, #tpu.memory_space<vmem>>) target(%dma_start3A_53 : memref<128x64xf32, #tpu.memory_space<vmem_shared>>) target_semaphore(%run_scoped3A : memref<!tpu.dma_semaphore, #tpu.memory_space<semaphore_mem>>)
      %dma_wait3A = arith.constant 0 : i32
      %dma_wait3A_54 = tpu.memref_slice %arg8[%add3A_16, %dma_wait3A] : memref<10240x64xf32, #tpu.memory_space<vmem_shared>> -> memref<128x64xf32, #tpu.memory_space<vmem_shared>>
      %dma_wait3A_55 = arith.constant 0 : i32
      %dma_wait3A_56 = tpu.memref_slice %arg8[%add3A_16, %dma_wait3A_55] : memref<10240x64xf32, #tpu.memory_space<vmem_shared>> -> memref<128x64xf32, #tpu.memory_space<vmem_shared>>
      tpu.wait_dma2 semaphore(%run_scoped3A : memref<!tpu.dma_semaphore, #tpu.memory_space<semaphore_mem>>) src(%arg11 : memref<128x64xf32, #tpu.memory_space<vmem>>) dst(%dma_wait3A_56 : memref<128x64xf32, #tpu.memory_space<vmem_shared>>)
      tpu.yield
    }) : () -> ()
    %mul3A_17 = arith.constant 640 : i32
    %mul3A_18 = arith.muli %arg1, %mul3A_17 : i32
    %add3A_19 = arith.constant 512 : i32
    %add3A_20 = arith.addi %mul3A_18, %add3A_19 : i32
    "tpu.region"() ({
      %run_scoped3A = tpu.sem_alloc : memref<!tpu.dma_semaphore, #tpu.memory_space<semaphore_mem>>
      %dma_start3A = arith.constant 0 : i32
      %dma_start3A_51 = tpu.memref_slice %arg8[%add3A_20, %dma_start3A] : memref<10240x64xf32, #tpu.memory_space<vmem_shared>> -> memref<128x64xf32, #tpu.memory_space<vmem_shared>>
      %dma_start3A_52 = arith.constant 0 : i32
      %dma_start3A_53 = tpu.memref_slice %arg8[%add3A_20, %dma_start3A_52] : memref<10240x64xf32, #tpu.memory_space<vmem_shared>> -> memref<128x64xf32, #tpu.memory_space<vmem_shared>>
      tpu.enqueue_dma source(%arg11 : memref<128x64xf32, #tpu.memory_space<vmem>>) target(%dma_start3A_53 : memref<128x64xf32, #tpu.memory_space<vmem_shared>>) target_semaphore(%run_scoped3A : memref<!tpu.dma_semaphore, #tpu.memory_space<semaphore_mem>>)
      %dma_wait3A = arith.constant 0 : i32
      %dma_wait3A_54 = tpu.memref_slice %arg8[%add3A_20, %dma_wait3A] : memref<10240x64xf32, #tpu.memory_space<vmem_shared>> -> memref<128x64xf32, #tpu.memory_space<vmem_shared>>
      %dma_wait3A_55 = arith.constant 0 : i32
      %dma_wait3A_56 = tpu.memref_slice %arg8[%add3A_20, %dma_wait3A_55] : memref<10240x64xf32, #tpu.memory_space<vmem_shared>> -> memref<128x64xf32, #tpu.memory_space<vmem_shared>>
      tpu.wait_dma2 semaphore(%run_scoped3A : memref<!tpu.dma_semaphore, #tpu.memory_space<semaphore_mem>>) src(%arg11 : memref<128x64xf32, #tpu.memory_space<vmem>>) dst(%dma_wait3A_56 : memref<128x64xf32, #tpu.memory_space<vmem_shared>>)
      tpu.yield
    }) : () -> ()
    %barrier3A = arith.constant 0 : index
    tpu.barrier barrier_id(%barrier3A)
    %mul3A_21 = arith.constant 80 : i32
    %mul3A_22 = arith.muli %add3A, %mul3A_21 : i32
    "tpu.region"() ({
      %run_scoped3A = tpu.sem_alloc : memref<!tpu.dma_semaphore, #tpu.memory_space<semaphore_mem>>
      %dma_start3A = arith.constant 0 : i32
      %dma_start3A_51 = tpu.memref_slice %arg3[%mul3A_22, %dma_start3A] : memref<2560x128xi32, #tpu.memory_space<hbm>> -> memref<80x128xi32, #tpu.memory_space<hbm>>
      %dma_start3A_52 = arith.constant 0 : i32
      %dma_start3A_53 = tpu.memref_slice %arg3[%mul3A_22, %dma_start3A_52] : memref<2560x128xi32, #tpu.memory_space<hbm>> -> memref<80x128xi32, #tpu.memory_space<hbm>>
      tpu.enqueue_dma source(%dma_start3A_53 : memref<80x128xi32, #tpu.memory_space<hbm>>) target(%arg10 : memref<80x128xi32, #tpu.memory_space<vmem>>) target_semaphore(%run_scoped3A : memref<!tpu.dma_semaphore, #tpu.memory_space<semaphore_mem>>)
      %dma_wait3A = arith.constant 0 : i32
      %dma_wait3A_54 = tpu.memref_slice %arg3[%mul3A_22, %dma_wait3A] : memref<2560x128xi32, #tpu.memory_space<hbm>> -> memref<80x128xi32, #tpu.memory_space<hbm>>
      %dma_wait3A_55 = arith.constant 0 : i32
      %dma_wait3A_56 = tpu.memref_slice %arg3[%mul3A_22, %dma_wait3A_55] : memref<2560x128xi32, #tpu.memory_space<hbm>> -> memref<80x128xi32, #tpu.memory_space<hbm>>
      tpu.wait_dma2 semaphore(%run_scoped3A : memref<!tpu.dma_semaphore, #tpu.memory_space<semaphore_mem>>) src(%dma_wait3A_56 : memref<80x128xi32, #tpu.memory_space<hbm>>) dst(%arg10 : memref<80x128xi32, #tpu.memory_space<vmem>>)
      tpu.yield
    }) : () -> ()
    %mul3A_23 = arith.constant 80 : i32
    %mul3A_24 = arith.muli %add3A, %mul3A_23 : i32
    "tpu.region"() ({
      %run_scoped3A = tpu.sem_alloc : memref<!tpu.dma_semaphore, #tpu.memory_space<semaphore_mem>>
      %dma_start3A = arith.constant 0 : i32
      %dma_start3A_51 = tpu.memref_slice %arg2[%mul3A_24, %dma_start3A] : memref<2560x128xi32, #tpu.memory_space<hbm>> -> memref<80x128xi32, #tpu.memory_space<hbm>>
      %dma_start3A_52 = arith.constant 0 : i32
      %dma_start3A_53 = tpu.memref_slice %arg2[%mul3A_24, %dma_start3A_52] : memref<2560x128xi32, #tpu.memory_space<hbm>> -> memref<80x128xi32, #tpu.memory_space<hbm>>
      tpu.enqueue_dma source(%dma_start3A_53 : memref<80x128xi32, #tpu.memory_space<hbm>>) target(%arg9 : memref<80x128xi32, #tpu.memory_space<vmem>>) target_semaphore(%run_scoped3A : memref<!tpu.dma_semaphore, #tpu.memory_space<semaphore_mem>>)
      %dma_wait3A = arith.constant 0 : i32
      %dma_wait3A_54 = tpu.memref_slice %arg2[%mul3A_24, %dma_wait3A] : memref<2560x128xi32, #tpu.memory_space<hbm>> -> memref<80x128xi32, #tpu.memory_space<hbm>>
      %dma_wait3A_55 = arith.constant 0 : i32
      %dma_wait3A_56 = tpu.memref_slice %arg2[%mul3A_24, %dma_wait3A_55] : memref<2560x128xi32, #tpu.memory_space<hbm>> -> memref<80x128xi32, #tpu.memory_space<hbm>>
      tpu.wait_dma2 semaphore(%run_scoped3A : memref<!tpu.dma_semaphore, #tpu.memory_space<semaphore_mem>>) src(%dma_wait3A_56 : memref<80x128xi32, #tpu.memory_space<hbm>>) dst(%arg9 : memref<80x128xi32, #tpu.memory_space<vmem>>)
      tpu.yield
    }) : () -> ()
    %scan3A = arith.constant 0 : i32
    %scan3A_25 = arith.constant 0 : i32
    %scan3A_26 = arith.constant 80 : i32
    %scan3A_27 = arith.addi %scan3A_25, %scan3A_26 : i32
    %scan3A_28 = arith.constant 1 : i32
    scf.for %scan3A_51 = %scan3A_25 to %scan3A_27 step %scan3A_28  : i32 {
      %dma_start3A = arith.constant 0 : i32
      %dma_start3A_52 = tpu.memref_slice %arg9[%scan3A_51, %dma_start3A] : memref<80x128xi32, #tpu.memory_space<vmem>> -> memref<1x128xi32, #tpu.memory_space<vmem>>
      %dma_start3A_53 = tpu.memref_squeeze %dma_start3A_52 : memref<1x128xi32, #tpu.memory_space<vmem>> -> memref<128xi32, #tpu.memory_space<vmem>>
      %dma_start3A_54 = arith.constant 0 : i32
      %dma_start3A_55 = arith.constant 0 : i32
      %dma_start3A_56 = tpu.memref_slice %arg4[%dma_start3A_54, %dma_start3A_55] : memref<10000x64xf32, #tpu.memory_space<hbm>> -> memref<10000x64xf32, #tpu.memory_space<hbm>>
      tpu.enqueue_indirect_dma source(%dma_start3A_56 : memref<10000x64xf32, #tpu.memory_space<hbm>>) target(%arg11 : memref<128x64xf32, #tpu.memory_space<vmem>>) offsets(%dma_start3A_53 : memref<128xi32, #tpu.memory_space<vmem>>) semaphore(%arg12 : memref<!tpu.dma_semaphore, #tpu.memory_space<semaphore_mem>>)
      %dma_wait3A = arith.constant 0 : i32
      %dma_wait3A_57 = tpu.memref_slice %arg9[%scan3A_51, %dma_wait3A] : memref<80x128xi32, #tpu.memory_space<vmem>> -> memref<1x128xi32, #tpu.memory_space<vmem>>
      %dma_wait3A_58 = tpu.memref_squeeze %dma_wait3A_57 : memref<1x128xi32, #tpu.memory_space<vmem>> -> memref<128xi32, #tpu.memory_space<vmem>>
      %dma_wait3A_59 = arith.constant 0 : i32
      %dma_wait3A_60 = arith.constant 0 : i32
      %dma_wait3A_61 = tpu.memref_slice %arg4[%dma_wait3A_59, %dma_wait3A_60] : memref<10000x64xf32, #tpu.memory_space<hbm>> -> memref<10000x64xf32, #tpu.memory_space<hbm>>
      tpu.wait_indirect_dma semaphore(%arg12 : memref<!tpu.dma_semaphore, #tpu.memory_space<semaphore_mem>>) src(%dma_wait3A_61 : memref<10000x64xf32, #tpu.memory_space<hbm>>) dst(%arg11 : memref<128x64xf32, #tpu.memory_space<vmem>>)
      "tpu.region"() ({
        %run_scoped3A = tpu.sem_alloc : memref<!tpu.dma_semaphore, #tpu.memory_space<semaphore_mem>>
        %dma_start3A_62 = arith.constant 0 : i32
        %dma_start3A_63 = tpu.memref_slice %arg10[%scan3A_51, %dma_start3A_62] : memref<80x128xi32, #tpu.memory_space<vmem>> -> memref<1x128xi32, #tpu.memory_space<vmem>>
        %dma_start3A_64 = tpu.memref_squeeze %dma_start3A_63 : memref<1x128xi32, #tpu.memory_space<vmem>> -> memref<128xi32, #tpu.memory_space<vmem>>
        %dma_start3A_65 = arith.constant 0 : i32
        %dma_start3A_66 = arith.constant 0 : i32
        %dma_start3A_67 = tpu.memref_slice %arg8[%dma_start3A_65, %dma_start3A_66] : memref<10240x64xf32, #tpu.memory_space<vmem_shared>> -> memref<10240x64xf32, #tpu.memory_space<vmem_shared>>
        tpu.enqueue_indirect_dma source(%arg11 : memref<128x64xf32, #tpu.memory_space<vmem>>) target(%dma_start3A_67 : memref<10240x64xf32, #tpu.memory_space<vmem_shared>>) offsets(%dma_start3A_64 : memref<128xi32, #tpu.memory_space<vmem>>) semaphore(%run_scoped3A : memref<!tpu.dma_semaphore, #tpu.memory_space<semaphore_mem>>) {add = true}
        %dma_wait3A_68 = arith.constant 0 : i32
        %dma_wait3A_69 = tpu.memref_slice %arg10[%scan3A_51, %dma_wait3A_68] : memref<80x128xi32, #tpu.memory_space<vmem>> -> memref<1x128xi32, #tpu.memory_space<vmem>>
        %dma_wait3A_70 = tpu.memref_squeeze %dma_wait3A_69 : memref<1x128xi32, #tpu.memory_space<vmem>> -> memref<128xi32, #tpu.memory_space<vmem>>
        %dma_wait3A_71 = arith.constant 0 : i32
        %dma_wait3A_72 = arith.constant 0 : i32
        %dma_wait3A_73 = tpu.memref_slice %arg8[%dma_wait3A_71, %dma_wait3A_72] : memref<10240x64xf32, #tpu.memory_space<vmem_shared>> -> memref<10240x64xf32, #tpu.memory_space<vmem_shared>>
        tpu.wait_indirect_dma semaphore(%run_scoped3A : memref<!tpu.dma_semaphore, #tpu.memory_space<semaphore_mem>>) src(%arg11 : memref<128x64xf32, #tpu.memory_space<vmem>>) dst(%dma_wait3A_73 : memref<10240x64xf32, #tpu.memory_space<vmem_shared>>)
        tpu.yield
      }) : () -> ()
    }
    %scan3A_29 = arith.constant 80 : i32
    %barrier3A_30 = arith.constant 0 : index
    tpu.barrier barrier_id(%barrier3A_30)
    %mul3A_31 = arith.constant 640 : i32
    %mul3A_32 = arith.muli %arg1, %mul3A_31 : i32
    %add3A_33 = arith.constant 0 : i32
    %add3A_34 = arith.addi %mul3A_32, %add3A_33 : i32
    "tpu.region"() ({
      %run_scoped3A = tpu.sem_alloc : memref<!tpu.dma_semaphore, #tpu.memory_space<semaphore_mem>>
      %dma_start3A = arith.constant 0 : i32
      %dma_start3A_51 = tpu.memref_slice %arg8[%add3A_34, %dma_start3A] : memref<10240x64xf32, #tpu.memory_space<vmem_shared>> -> memref<128x64xf32, #tpu.memory_space<vmem_shared>>
      %dma_start3A_52 = arith.constant 0 : i32
      %dma_start3A_53 = tpu.memref_slice %arg8[%add3A_34, %dma_start3A_52] : memref<10240x64xf32, #tpu.memory_space<vmem_shared>> -> memref<128x64xf32, #tpu.memory_space<vmem_shared>>
      tpu.enqueue_dma source(%dma_start3A_53 : memref<128x64xf32, #tpu.memory_space<vmem_shared>>) target(%arg11 : memref<128x64xf32, #tpu.memory_space<vmem>>) target_semaphore(%run_scoped3A : memref<!tpu.dma_semaphore, #tpu.memory_space<semaphore_mem>>)
      %dma_wait3A = arith.constant 0 : i32
      %dma_wait3A_54 = tpu.memref_slice %arg8[%add3A_34, %dma_wait3A] : memref<10240x64xf32, #tpu.memory_space<vmem_shared>> -> memref<128x64xf32, #tpu.memory_space<vmem_shared>>
      %dma_wait3A_55 = arith.constant 0 : i32
      %dma_wait3A_56 = tpu.memref_slice %arg8[%add3A_34, %dma_wait3A_55] : memref<10240x64xf32, #tpu.memory_space<vmem_shared>> -> memref<128x64xf32, #tpu.memory_space<vmem_shared>>
      tpu.wait_dma2 semaphore(%run_scoped3A : memref<!tpu.dma_semaphore, #tpu.memory_space<semaphore_mem>>) src(%dma_wait3A_56 : memref<128x64xf32, #tpu.memory_space<vmem_shared>>) dst(%arg11 : memref<128x64xf32, #tpu.memory_space<vmem>>)
      tpu.yield
    }) : () -> ()
    "tpu.region"() ({
      %run_scoped3A = tpu.sem_alloc : memref<!tpu.dma_semaphore, #tpu.memory_space<semaphore_mem>>
      %dma_start3A = arith.constant 0 : i32
      %dma_start3A_51 = tpu.memref_slice %arg7[%arg0, %add3A_34, %dma_start3A] : memref<2x10240x64xf32, #tpu.memory_space<hbm>> -> memref<1x128x64xf32, #tpu.memory_space<hbm>>
      %dma_start3A_52 = tpu.memref_squeeze %dma_start3A_51 : memref<1x128x64xf32, #tpu.memory_space<hbm>> -> memref<128x64xf32, #tpu.memory_space<hbm>>
      %dma_start3A_53 = arith.constant 0 : i32
      %dma_start3A_54 = tpu.memref_slice %arg7[%arg0, %add3A_34, %dma_start3A_53] : memref<2x10240x64xf32, #tpu.memory_space<hbm>> -> memref<1x128x64xf32, #tpu.memory_space<hbm>>
      %dma_start3A_55 = tpu.memref_squeeze %dma_start3A_54 : memref<1x128x64xf32, #tpu.memory_space<hbm>> -> memref<128x64xf32, #tpu.memory_space<hbm>>
      tpu.enqueue_dma source(%arg11 : memref<128x64xf32, #tpu.memory_space<vmem>>) target(%dma_start3A_55 : memref<128x64xf32, #tpu.memory_space<hbm>>) target_semaphore(%run_scoped3A : memref<!tpu.dma_semaphore, #tpu.memory_space<semaphore_mem>>)
      %dma_wait3A = arith.constant 0 : i32
      %dma_wait3A_56 = tpu.memref_slice %arg7[%arg0, %add3A_34, %dma_wait3A] : memref<2x10240x64xf32, #tpu.memory_space<hbm>> -> memref<1x128x64xf32, #tpu.memory_space<hbm>>
      %dma_wait3A_57 = tpu.memref_squeeze %dma_wait3A_56 : memref<1x128x64xf32, #tpu.memory_space<hbm>> -> memref<128x64xf32, #tpu.memory_space<hbm>>
      %dma_wait3A_58 = arith.constant 0 : i32
      %dma_wait3A_59 = tpu.memref_slice %arg7[%arg0, %add3A_34, %dma_wait3A_58] : memref<2x10240x64xf32, #tpu.memory_space<hbm>> -> memref<1x128x64xf32, #tpu.memory_space<hbm>>
      %dma_wait3A_60 = tpu.memref_squeeze %dma_wait3A_59 : memref<1x128x64xf32, #tpu.memory_space<hbm>> -> memref<128x64xf32, #tpu.memory_space<hbm>>
      tpu.wait_dma2 semaphore(%run_scoped3A : memref<!tpu.dma_semaphore, #tpu.memory_space<semaphore_mem>>) src(%arg11 : memref<128x64xf32, #tpu.memory_space<vmem>>) dst(%dma_wait3A_60 : memref<128x64xf32, #tpu.memory_space<hbm>>)
      tpu.yield
    }) : () -> ()
    %mul3A_35 = arith.constant 640 : i32
    %mul3A_36 = arith.muli %arg1, %mul3A_35 : i32
    %add3A_37 = arith.constant 128 : i32
    %add3A_38 = arith.addi %mul3A_36, %add3A_37 : i32
    "tpu.region"() ({
      %run_scoped3A = tpu.sem_alloc : memref<!tpu.dma_semaphore, #tpu.memory_space<semaphore_mem>>
      %dma_start3A = arith.constant 0 : i32
      %dma_start3A_51 = tpu.memref_slice %arg8[%add3A_38, %dma_start3A] : memref<10240x64xf32, #tpu.memory_space<vmem_shared>> -> memref<128x64xf32, #tpu.memory_space<vmem_shared>>
      %dma_start3A_52 = arith.constant 0 : i32
      %dma_start3A_53 = tpu.memref_slice %arg8[%add3A_38, %dma_start3A_52] : memref<10240x64xf32, #tpu.memory_space<vmem_shared>> -> memref<128x64xf32, #tpu.memory_space<vmem_shared>>
      tpu.enqueue_dma source(%dma_start3A_53 : memref<128x64xf32, #tpu.memory_space<vmem_shared>>) target(%arg11 : memref<128x64xf32, #tpu.memory_space<vmem>>) target_semaphore(%run_scoped3A : memref<!tpu.dma_semaphore, #tpu.memory_space<semaphore_mem>>)
      %dma_wait3A = arith.constant 0 : i32
      %dma_wait3A_54 = tpu.memref_slice %arg8[%add3A_38, %dma_wait3A] : memref<10240x64xf32, #tpu.memory_space<vmem_shared>> -> memref<128x64xf32, #tpu.memory_space<vmem_shared>>
      %dma_wait3A_55 = arith.constant 0 : i32
      %dma_wait3A_56 = tpu.memref_slice %arg8[%add3A_38, %dma_wait3A_55] : memref<10240x64xf32, #tpu.memory_space<vmem_shared>> -> memref<128x64xf32, #tpu.memory_space<vmem_shared>>
      tpu.wait_dma2 semaphore(%run_scoped3A : memref<!tpu.dma_semaphore, #tpu.memory_space<semaphore_mem>>) src(%dma_wait3A_56 : memref<128x64xf32, #tpu.memory_space<vmem_shared>>) dst(%arg11 : memref<128x64xf32, #tpu.memory_space<vmem>>)
      tpu.yield
    }) : () -> ()
    "tpu.region"() ({
      %run_scoped3A = tpu.sem_alloc : memref<!tpu.dma_semaphore, #tpu.memory_space<semaphore_mem>>
      %dma_start3A = arith.constant 0 : i32
      %dma_start3A_51 = tpu.memref_slice %arg7[%arg0, %add3A_38, %dma_start3A] : memref<2x10240x64xf32, #tpu.memory_space<hbm>> -> memref<1x128x64xf32, #tpu.memory_space<hbm>>
      %dma_start3A_52 = tpu.memref_squeeze %dma_start3A_51 : memref<1x128x64xf32, #tpu.memory_space<hbm>> -> memref<128x64xf32, #tpu.memory_space<hbm>>
      %dma_start3A_53 = arith.constant 0 : i32
      %dma_start3A_54 = tpu.memref_slice %arg7[%arg0, %add3A_38, %dma_start3A_53] : memref<2x10240x64xf32, #tpu.memory_space<hbm>> -> memref<1x128x64xf32, #tpu.memory_space<hbm>>
      %dma_start3A_55 = tpu.memref_squeeze %dma_start3A_54 : memref<1x128x64xf32, #tpu.memory_space<hbm>> -> memref<128x64xf32, #tpu.memory_space<hbm>>
      tpu.enqueue_dma source(%arg11 : memref<128x64xf32, #tpu.memory_space<vmem>>) target(%dma_start3A_55 : memref<128x64xf32, #tpu.memory_space<hbm>>) target_semaphore(%run_scoped3A : memref<!tpu.dma_semaphore, #tpu.memory_space<semaphore_mem>>)
      %dma_wait3A = arith.constant 0 : i32
      %dma_wait3A_56 = tpu.memref_slice %arg7[%arg0, %add3A_38, %dma_wait3A] : memref<2x10240x64xf32, #tpu.memory_space<hbm>> -> memref<1x128x64xf32, #tpu.memory_space<hbm>>
      %dma_wait3A_57 = tpu.memref_squeeze %dma_wait3A_56 : memref<1x128x64xf32, #tpu.memory_space<hbm>> -> memref<128x64xf32, #tpu.memory_space<hbm>>
      %dma_wait3A_58 = arith.constant 0 : i32
      %dma_wait3A_59 = tpu.memref_slice %arg7[%arg0, %add3A_38, %dma_wait3A_58] : memref<2x10240x64xf32, #tpu.memory_space<hbm>> -> memref<1x128x64xf32, #tpu.memory_space<hbm>>
      %dma_wait3A_60 = tpu.memref_squeeze %dma_wait3A_59 : memref<1x128x64xf32, #tpu.memory_space<hbm>> -> memref<128x64xf32, #tpu.memory_space<hbm>>
      tpu.wait_dma2 semaphore(%run_scoped3A : memref<!tpu.dma_semaphore, #tpu.memory_space<semaphore_mem>>) src(%arg11 : memref<128x64xf32, #tpu.memory_space<vmem>>) dst(%dma_wait3A_60 : memref<128x64xf32, #tpu.memory_space<hbm>>)
      tpu.yield
    }) : () -> ()
    %mul3A_39 = arith.constant 640 : i32
    %mul3A_40 = arith.muli %arg1, %mul3A_39 : i32
    %add3A_41 = arith.constant 256 : i32
    %add3A_42 = arith.addi %mul3A_40, %add3A_41 : i32
    "tpu.region"() ({
      %run_scoped3A = tpu.sem_alloc : memref<!tpu.dma_semaphore, #tpu.memory_space<semaphore_mem>>
      %dma_start3A = arith.constant 0 : i32
      %dma_start3A_51 = tpu.memref_slice %arg8[%add3A_42, %dma_start3A] : memref<10240x64xf32, #tpu.memory_space<vmem_shared>> -> memref<128x64xf32, #tpu.memory_space<vmem_shared>>
      %dma_start3A_52 = arith.constant 0 : i32
      %dma_start3A_53 = tpu.memref_slice %arg8[%add3A_42, %dma_start3A_52] : memref<10240x64xf32, #tpu.memory_space<vmem_shared>> -> memref<128x64xf32, #tpu.memory_space<vmem_shared>>
      tpu.enqueue_dma source(%dma_start3A_53 : memref<128x64xf32, #tpu.memory_space<vmem_shared>>) target(%arg11 : memref<128x64xf32, #tpu.memory_space<vmem>>) target_semaphore(%run_scoped3A : memref<!tpu.dma_semaphore, #tpu.memory_space<semaphore_mem>>)
      %dma_wait3A = arith.constant 0 : i32
      %dma_wait3A_54 = tpu.memref_slice %arg8[%add3A_42, %dma_wait3A] : memref<10240x64xf32, #tpu.memory_space<vmem_shared>> -> memref<128x64xf32, #tpu.memory_space<vmem_shared>>
      %dma_wait3A_55 = arith.constant 0 : i32
      %dma_wait3A_56 = tpu.memref_slice %arg8[%add3A_42, %dma_wait3A_55] : memref<10240x64xf32, #tpu.memory_space<vmem_shared>> -> memref<128x64xf32, #tpu.memory_space<vmem_shared>>
      tpu.wait_dma2 semaphore(%run_scoped3A : memref<!tpu.dma_semaphore, #tpu.memory_space<semaphore_mem>>) src(%dma_wait3A_56 : memref<128x64xf32, #tpu.memory_space<vmem_shared>>) dst(%arg11 : memref<128x64xf32, #tpu.memory_space<vmem>>)
      tpu.yield
    }) : () -> ()
    "tpu.region"() ({
      %run_scoped3A = tpu.sem_alloc : memref<!tpu.dma_semaphore, #tpu.memory_space<semaphore_mem>>
      %dma_start3A = arith.constant 0 : i32
      %dma_start3A_51 = tpu.memref_slice %arg7[%arg0, %add3A_42, %dma_start3A] : memref<2x10240x64xf32, #tpu.memory_space<hbm>> -> memref<1x128x64xf32, #tpu.memory_space<hbm>>
      %dma_start3A_52 = tpu.memref_squeeze %dma_start3A_51 : memref<1x128x64xf32, #tpu.memory_space<hbm>> -> memref<128x64xf32, #tpu.memory_space<hbm>>
      %dma_start3A_53 = arith.constant 0 : i32
      %dma_start3A_54 = tpu.memref_slice %arg7[%arg0, %add3A_42, %dma_start3A_53] : memref<2x10240x64xf32, #tpu.memory_space<hbm>> -> memref<1x128x64xf32, #tpu.memory_space<hbm>>
      %dma_start3A_55 = tpu.memref_squeeze %dma_start3A_54 : memref<1x128x64xf32, #tpu.memory_space<hbm>> -> memref<128x64xf32, #tpu.memory_space<hbm>>
      tpu.enqueue_dma source(%arg11 : memref<128x64xf32, #tpu.memory_space<vmem>>) target(%dma_start3A_55 : memref<128x64xf32, #tpu.memory_space<hbm>>) target_semaphore(%run_scoped3A : memref<!tpu.dma_semaphore, #tpu.memory_space<semaphore_mem>>)
      %dma_wait3A = arith.constant 0 : i32
      %dma_wait3A_56 = tpu.memref_slice %arg7[%arg0, %add3A_42, %dma_wait3A] : memref<2x10240x64xf32, #tpu.memory_space<hbm>> -> memref<1x128x64xf32, #tpu.memory_space<hbm>>
      %dma_wait3A_57 = tpu.memref_squeeze %dma_wait3A_56 : memref<1x128x64xf32, #tpu.memory_space<hbm>> -> memref<128x64xf32, #tpu.memory_space<hbm>>
      %dma_wait3A_58 = arith.constant 0 : i32
      %dma_wait3A_59 = tpu.memref_slice %arg7[%arg0, %add3A_42, %dma_wait3A_58] : memref<2x10240x64xf32, #tpu.memory_space<hbm>> -> memref<1x128x64xf32, #tpu.memory_space<hbm>>
      %dma_wait3A_60 = tpu.memref_squeeze %dma_wait3A_59 : memref<1x128x64xf32, #tpu.memory_space<hbm>> -> memref<128x64xf32, #tpu.memory_space<hbm>>
      tpu.wait_dma2 semaphore(%run_scoped3A : memref<!tpu.dma_semaphore, #tpu.memory_space<semaphore_mem>>) src(%arg11 : memref<128x64xf32, #tpu.memory_space<vmem>>) dst(%dma_wait3A_60 : memref<128x64xf32, #tpu.memory_space<hbm>>)
      tpu.yield
    }) : () -> ()
    %mul3A_43 = arith.constant 640 : i32
    %mul3A_44 = arith.muli %arg1, %mul3A_43 : i32
    %add3A_45 = arith.constant 384 : i32
    %add3A_46 = arith.addi %mul3A_44, %add3A_45 : i32
    "tpu.region"() ({
      %run_scoped3A = tpu.sem_alloc : memref<!tpu.dma_semaphore, #tpu.memory_space<semaphore_mem>>
      %dma_start3A = arith.constant 0 : i32
      %dma_start3A_51 = tpu.memref_slice %arg8[%add3A_46, %dma_start3A] : memref<10240x64xf32, #tpu.memory_space<vmem_shared>> -> memref<128x64xf32, #tpu.memory_space<vmem_shared>>
      %dma_start3A_52 = arith.constant 0 : i32
      %dma_start3A_53 = tpu.memref_slice %arg8[%add3A_46, %dma_start3A_52] : memref<10240x64xf32, #tpu.memory_space<vmem_shared>> -> memref<128x64xf32, #tpu.memory_space<vmem_shared>>
      tpu.enqueue_dma source(%dma_start3A_53 : memref<128x64xf32, #tpu.memory_space<vmem_shared>>) target(%arg11 : memref<128x64xf32, #tpu.memory_space<vmem>>) target_semaphore(%run_scoped3A : memref<!tpu.dma_semaphore, #tpu.memory_space<semaphore_mem>>)
      %dma_wait3A = arith.constant 0 : i32
      %dma_wait3A_54 = tpu.memref_slice %arg8[%add3A_46, %dma_wait3A] : memref<10240x64xf32, #tpu.memory_space<vmem_shared>> -> memref<128x64xf32, #tpu.memory_space<vmem_shared>>
      %dma_wait3A_55 = arith.constant 0 : i32
      %dma_wait3A_56 = tpu.memref_slice %arg8[%add3A_46, %dma_wait3A_55] : memref<10240x64xf32, #tpu.memory_space<vmem_shared>> -> memref<128x64xf32, #tpu.memory_space<vmem_shared>>
      tpu.wait_dma2 semaphore(%run_scoped3A : memref<!tpu.dma_semaphore, #tpu.memory_space<semaphore_mem>>) src(%dma_wait3A_56 : memref<128x64xf32, #tpu.memory_space<vmem_shared>>) dst(%arg11 : memref<128x64xf32, #tpu.memory_space<vmem>>)
      tpu.yield
    }) : () -> ()
    "tpu.region"() ({
      %run_scoped3A = tpu.sem_alloc : memref<!tpu.dma_semaphore, #tpu.memory_space<semaphore_mem>>
      %dma_start3A = arith.constant 0 : i32
      %dma_start3A_51 = tpu.memref_slice %arg7[%arg0, %add3A_46, %dma_start3A] : memref<2x10240x64xf32, #tpu.memory_space<hbm>> -> memref<1x128x64xf32, #tpu.memory_space<hbm>>
      %dma_start3A_52 = tpu.memref_squeeze %dma_start3A_51 : memref<1x128x64xf32, #tpu.memory_space<hbm>> -> memref<128x64xf32, #tpu.memory_space<hbm>>
      %dma_start3A_53 = arith.constant 0 : i32
      %dma_start3A_54 = tpu.memref_slice %arg7[%arg0, %add3A_46, %dma_start3A_53] : memref<2x10240x64xf32, #tpu.memory_space<hbm>> -> memref<1x128x64xf32, #tpu.memory_space<hbm>>
      %dma_start3A_55 = tpu.memref_squeeze %dma_start3A_54 : memref<1x128x64xf32, #tpu.memory_space<hbm>> -> memref<128x64xf32, #tpu.memory_space<hbm>>
      tpu.enqueue_dma source(%arg11 : memref<128x64xf32, #tpu.memory_space<vmem>>) target(%dma_start3A_55 : memref<128x64xf32, #tpu.memory_space<hbm>>) target_semaphore(%run_scoped3A : memref<!tpu.dma_semaphore, #tpu.memory_space<semaphore_mem>>)
      %dma_wait3A = arith.constant 0 : i32
      %dma_wait3A_56 = tpu.memref_slice %arg7[%arg0, %add3A_46, %dma_wait3A] : memref<2x10240x64xf32, #tpu.memory_space<hbm>> -> memref<1x128x64xf32, #tpu.memory_space<hbm>>
      %dma_wait3A_57 = tpu.memref_squeeze %dma_wait3A_56 : memref<1x128x64xf32, #tpu.memory_space<hbm>> -> memref<128x64xf32, #tpu.memory_space<hbm>>
      %dma_wait3A_58 = arith.constant 0 : i32
      %dma_wait3A_59 = tpu.memref_slice %arg7[%arg0, %add3A_46, %dma_wait3A_58] : memref<2x10240x64xf32, #tpu.memory_space<hbm>> -> memref<1x128x64xf32, #tpu.memory_space<hbm>>
      %dma_wait3A_60 = tpu.memref_squeeze %dma_wait3A_59 : memref<1x128x64xf32, #tpu.memory_space<hbm>> -> memref<128x64xf32, #tpu.memory_space<hbm>>
      tpu.wait_dma2 semaphore(%run_scoped3A : memref<!tpu.dma_semaphore, #tpu.memory_space<semaphore_mem>>) src(%arg11 : memref<128x64xf32, #tpu.memory_space<vmem>>) dst(%dma_wait3A_60 : memref<128x64xf32, #tpu.memory_space<hbm>>)
      tpu.yield
    }) : () -> ()
    %mul3A_47 = arith.constant 640 : i32
    %mul3A_48 = arith.muli %arg1, %mul3A_47 : i32
    %add3A_49 = arith.constant 512 : i32
    %add3A_50 = arith.addi %mul3A_48, %add3A_49 : i32
    "tpu.region"() ({
      %run_scoped3A = tpu.sem_alloc : memref<!tpu.dma_semaphore, #tpu.memory_space<semaphore_mem>>
      %dma_start3A = arith.constant 0 : i32
      %dma_start3A_51 = tpu.memref_slice %arg8[%add3A_50, %dma_start3A] : memref<10240x64xf32, #tpu.memory_space<vmem_shared>> -> memref<128x64xf32, #tpu.memory_space<vmem_shared>>
      %dma_start3A_52 = arith.constant 0 : i32
      %dma_start3A_53 = tpu.memref_slice %arg8[%add3A_50, %dma_start3A_52] : memref<10240x64xf32, #tpu.memory_space<vmem_shared>> -> memref<128x64xf32, #tpu.memory_space<vmem_shared>>
      tpu.enqueue_dma source(%dma_start3A_53 : memref<128x64xf32, #tpu.memory_space<vmem_shared>>) target(%arg11 : memref<128x64xf32, #tpu.memory_space<vmem>>) target_semaphore(%run_scoped3A : memref<!tpu.dma_semaphore, #tpu.memory_space<semaphore_mem>>)
      %dma_wait3A = arith.constant 0 : i32
      %dma_wait3A_54 = tpu.memref_slice %arg8[%add3A_50, %dma_wait3A] : memref<10240x64xf32, #tpu.memory_space<vmem_shared>> -> memref<128x64xf32, #tpu.memory_space<vmem_shared>>
      %dma_wait3A_55 = arith.constant 0 : i32
      %dma_wait3A_56 = tpu.memref_slice %arg8[%add3A_50, %dma_wait3A_55] : memref<10240x64xf32, #tpu.memory_space<vmem_shared>> -> memref<128x64xf32, #tpu.memory_space<vmem_shared>>
      tpu.wait_dma2 semaphore(%run_scoped3A : memref<!tpu.dma_semaphore, #tpu.memory_space<semaphore_mem>>) src(%dma_wait3A_56 : memref<128x64xf32, #tpu.memory_space<vmem_shared>>) dst(%arg11 : memref<128x64xf32, #tpu.memory_space<vmem>>)
      tpu.yield
    }) : () -> ()
    "tpu.region"() ({
      %run_scoped3A = tpu.sem_alloc : memref<!tpu.dma_semaphore, #tpu.memory_space<semaphore_mem>>
      %dma_start3A = arith.constant 0 : i32
      %dma_start3A_51 = tpu.memref_slice %arg7[%arg0, %add3A_50, %dma_start3A] : memref<2x10240x64xf32, #tpu.memory_space<hbm>> -> memref<1x128x64xf32, #tpu.memory_space<hbm>>
      %dma_start3A_52 = tpu.memref_squeeze %dma_start3A_51 : memref<1x128x64xf32, #tpu.memory_space<hbm>> -> memref<128x64xf32, #tpu.memory_space<hbm>>
      %dma_start3A_53 = arith.constant 0 : i32
      %dma_start3A_54 = tpu.memref_slice %arg7[%arg0, %add3A_50, %dma_start3A_53] : memref<2x10240x64xf32, #tpu.memory_space<hbm>> -> memref<1x128x64xf32, #tpu.memory_space<hbm>>
      %dma_start3A_55 = tpu.memref_squeeze %dma_start3A_54 : memref<1x128x64xf32, #tpu.memory_space<hbm>> -> memref<128x64xf32, #tpu.memory_space<hbm>>
      tpu.enqueue_dma source(%arg11 : memref<128x64xf32, #tpu.memory_space<vmem>>) target(%dma_start3A_55 : memref<128x64xf32, #tpu.memory_space<hbm>>) target_semaphore(%run_scoped3A : memref<!tpu.dma_semaphore, #tpu.memory_space<semaphore_mem>>)
      %dma_wait3A = arith.constant 0 : i32
      %dma_wait3A_56 = tpu.memref_slice %arg7[%arg0, %add3A_50, %dma_wait3A] : memref<2x10240x64xf32, #tpu.memory_space<hbm>> -> memref<1x128x64xf32, #tpu.memory_space<hbm>>
      %dma_wait3A_57 = tpu.memref_squeeze %dma_wait3A_56 : memref<1x128x64xf32, #tpu.memory_space<hbm>> -> memref<128x64xf32, #tpu.memory_space<hbm>>
      %dma_wait3A_58 = arith.constant 0 : i32
      %dma_wait3A_59 = tpu.memref_slice %arg7[%arg0, %add3A_50, %dma_wait3A_58] : memref<2x10240x64xf32, #tpu.memory_space<hbm>> -> memref<1x128x64xf32, #tpu.memory_space<hbm>>
      %dma_wait3A_60 = tpu.memref_squeeze %dma_wait3A_59 : memref<1x128x64xf32, #tpu.memory_space<hbm>> -> memref<128x64xf32, #tpu.memory_space<hbm>>
      tpu.wait_dma2 semaphore(%run_scoped3A : memref<!tpu.dma_semaphore, #tpu.memory_space<semaphore_mem>>) src(%arg11 : memref<128x64xf32, #tpu.memory_space<vmem>>) dst(%dma_wait3A_60 : memref<128x64xf32, #tpu.memory_space<hbm>>)
      tpu.yield
    }) : () -> ()
    return
  }
}

#map = affine_map<(d0, d1) -> (0, 0)>
#map1 = affine_map<(d0, d1) -> (0, 0, 0)>
module attributes {stable_mosaic.version = 14 : i64} {
  func.func @_sc_scatter_body(%arg0: i32, %arg1: i32, %arg2: memref<2560x128xi32, #tpu.memory_space<hbm>>, %arg3: memref<2560x128xi32, #tpu.memory_space<hbm>>, %arg4: memref<128x16xf32, #tpu.memory_space<hbm>>, %arg5: memref<128x16xf32, #tpu.memory_space<hbm>>, %arg6: memref<128x16xf32, #tpu.memory_space<hbm>>, %arg7: memref<2x10240x16xf32, #tpu.memory_space<hbm>>, %arg8: memref<10240x16xf32, #tpu.memory_space<vmem_shared>>, %arg9: memref<80x128xi32, #tpu.memory_space<vmem>>, %arg10: memref<80x128xi32, #tpu.memory_space<vmem>>, %arg11: memref<128x16xf32, #tpu.memory_space<vmem>>, %arg12: memref<!tpu.dma_semaphore, #tpu.memory_space<semaphore_mem>>) attributes {dimension_semantics = [#tpu.dimension_semantics<core_parallel>, #tpu.dimension_semantics<subcore_parallel>], iteration_bounds = array<i64: 2, 16>, scalar_prefetch = 0 : i64, scratch_operands = 5 : i64, tpu.core_type = #tpu.core_type<sc_vector_subcore>, window_params = [{transform_indices = #map}, {transform_indices = #map}, {transform_indices = #map}, {transform_indices = #map}, {transform_indices = #map}, {transform_indices = #map1}]} {
    %mul3A = arith.constant 2 : i32
    %mul3A_0 = arith.muli %arg1, %mul3A : i32
    %add3A = arith.addi %mul3A_0, %arg0 : i32
    "tpu.region"() ({
      %run_scoped3A = tpu.sem_alloc : memref<!tpu.dma_semaphore, #tpu.memory_space<semaphore_mem>>
      tpu.enqueue_dma source(%arg5 : memref<128x16xf32, #tpu.memory_space<hbm>>) target(%arg11 : memref<128x16xf32, #tpu.memory_space<vmem>>) target_semaphore(%run_scoped3A : memref<!tpu.dma_semaphore, #tpu.memory_space<semaphore_mem>>)
      tpu.wait_dma2 semaphore(%run_scoped3A : memref<!tpu.dma_semaphore, #tpu.memory_space<semaphore_mem>>) src(%arg5 : memref<128x16xf32, #tpu.memory_space<hbm>>) dst(%arg11 : memref<128x16xf32, #tpu.memory_space<vmem>>)
      tpu.yield
    }) : () -> ()
    %mul3A_1 = arith.constant 640 : i32
    %mul3A_2 = arith.muli %arg1, %mul3A_1 : i32
    %add3A_3 = arith.constant 0 : i32
    %add3A_4 = arith.addi %mul3A_2, %add3A_3 : i32
    "tpu.region"() ({
      %run_scoped3A = tpu.sem_alloc : memref<!tpu.dma_semaphore, #tpu.memory_space<semaphore_mem>>
      %dma_start3A = arith.constant 0 : i32
      %dma_start3A_49 = tpu.memref_slice %arg8[%add3A_4, %dma_start3A] : memref<10240x16xf32, #tpu.memory_space<vmem_shared>> -> memref<128x16xf32, #tpu.memory_space<vmem_shared>>
      %dma_start3A_50 = arith.constant 0 : i32
      %dma_start3A_51 = tpu.memref_slice %arg8[%add3A_4, %dma_start3A_50] : memref<10240x16xf32, #tpu.memory_space<vmem_shared>> -> memref<128x16xf32, #tpu.memory_space<vmem_shared>>
      tpu.enqueue_dma source(%arg11 : memref<128x16xf32, #tpu.memory_space<vmem>>) target(%dma_start3A_51 : memref<128x16xf32, #tpu.memory_space<vmem_shared>>) target_semaphore(%run_scoped3A : memref<!tpu.dma_semaphore, #tpu.memory_space<semaphore_mem>>)
      %dma_wait3A = arith.constant 0 : i32
      %dma_wait3A_52 = tpu.memref_slice %arg8[%add3A_4, %dma_wait3A] : memref<10240x16xf32, #tpu.memory_space<vmem_shared>> -> memref<128x16xf32, #tpu.memory_space<vmem_shared>>
      %dma_wait3A_53 = arith.constant 0 : i32
      %dma_wait3A_54 = tpu.memref_slice %arg8[%add3A_4, %dma_wait3A_53] : memref<10240x16xf32, #tpu.memory_space<vmem_shared>> -> memref<128x16xf32, #tpu.memory_space<vmem_shared>>
      tpu.wait_dma2 semaphore(%run_scoped3A : memref<!tpu.dma_semaphore, #tpu.memory_space<semaphore_mem>>) src(%arg11 : memref<128x16xf32, #tpu.memory_space<vmem>>) dst(%dma_wait3A_54 : memref<128x16xf32, #tpu.memory_space<vmem_shared>>)
      tpu.yield
    }) : () -> ()
    %mul3A_5 = arith.constant 640 : i32
    %mul3A_6 = arith.muli %arg1, %mul3A_5 : i32
    %add3A_7 = arith.constant 128 : i32
    %add3A_8 = arith.addi %mul3A_6, %add3A_7 : i32
    "tpu.region"() ({
      %run_scoped3A = tpu.sem_alloc : memref<!tpu.dma_semaphore, #tpu.memory_space<semaphore_mem>>
      %dma_start3A = arith.constant 0 : i32
      %dma_start3A_49 = tpu.memref_slice %arg8[%add3A_8, %dma_start3A] : memref<10240x16xf32, #tpu.memory_space<vmem_shared>> -> memref<128x16xf32, #tpu.memory_space<vmem_shared>>
      %dma_start3A_50 = arith.constant 0 : i32
      %dma_start3A_51 = tpu.memref_slice %arg8[%add3A_8, %dma_start3A_50] : memref<10240x16xf32, #tpu.memory_space<vmem_shared>> -> memref<128x16xf32, #tpu.memory_space<vmem_shared>>
      tpu.enqueue_dma source(%arg11 : memref<128x16xf32, #tpu.memory_space<vmem>>) target(%dma_start3A_51 : memref<128x16xf32, #tpu.memory_space<vmem_shared>>) target_semaphore(%run_scoped3A : memref<!tpu.dma_semaphore, #tpu.memory_space<semaphore_mem>>)
      %dma_wait3A = arith.constant 0 : i32
      %dma_wait3A_52 = tpu.memref_slice %arg8[%add3A_8, %dma_wait3A] : memref<10240x16xf32, #tpu.memory_space<vmem_shared>> -> memref<128x16xf32, #tpu.memory_space<vmem_shared>>
      %dma_wait3A_53 = arith.constant 0 : i32
      %dma_wait3A_54 = tpu.memref_slice %arg8[%add3A_8, %dma_wait3A_53] : memref<10240x16xf32, #tpu.memory_space<vmem_shared>> -> memref<128x16xf32, #tpu.memory_space<vmem_shared>>
      tpu.wait_dma2 semaphore(%run_scoped3A : memref<!tpu.dma_semaphore, #tpu.memory_space<semaphore_mem>>) src(%arg11 : memref<128x16xf32, #tpu.memory_space<vmem>>) dst(%dma_wait3A_54 : memref<128x16xf32, #tpu.memory_space<vmem_shared>>)
      tpu.yield
    }) : () -> ()
    %mul3A_9 = arith.constant 640 : i32
    %mul3A_10 = arith.muli %arg1, %mul3A_9 : i32
    %add3A_11 = arith.constant 256 : i32
    %add3A_12 = arith.addi %mul3A_10, %add3A_11 : i32
    "tpu.region"() ({
      %run_scoped3A = tpu.sem_alloc : memref<!tpu.dma_semaphore, #tpu.memory_space<semaphore_mem>>
      %dma_start3A = arith.constant 0 : i32
      %dma_start3A_49 = tpu.memref_slice %arg8[%add3A_12, %dma_start3A] : memref<10240x16xf32, #tpu.memory_space<vmem_shared>> -> memref<128x16xf32, #tpu.memory_space<vmem_shared>>
      %dma_start3A_50 = arith.constant 0 : i32
      %dma_start3A_51 = tpu.memref_slice %arg8[%add3A_12, %dma_start3A_50] : memref<10240x16xf32, #tpu.memory_space<vmem_shared>> -> memref<128x16xf32, #tpu.memory_space<vmem_shared>>
      tpu.enqueue_dma source(%arg11 : memref<128x16xf32, #tpu.memory_space<vmem>>) target(%dma_start3A_51 : memref<128x16xf32, #tpu.memory_space<vmem_shared>>) target_semaphore(%run_scoped3A : memref<!tpu.dma_semaphore, #tpu.memory_space<semaphore_mem>>)
      %dma_wait3A = arith.constant 0 : i32
      %dma_wait3A_52 = tpu.memref_slice %arg8[%add3A_12, %dma_wait3A] : memref<10240x16xf32, #tpu.memory_space<vmem_shared>> -> memref<128x16xf32, #tpu.memory_space<vmem_shared>>
      %dma_wait3A_53 = arith.constant 0 : i32
      %dma_wait3A_54 = tpu.memref_slice %arg8[%add3A_12, %dma_wait3A_53] : memref<10240x16xf32, #tpu.memory_space<vmem_shared>> -> memref<128x16xf32, #tpu.memory_space<vmem_shared>>
      tpu.wait_dma2 semaphore(%run_scoped3A : memref<!tpu.dma_semaphore, #tpu.memory_space<semaphore_mem>>) src(%arg11 : memref<128x16xf32, #tpu.memory_space<vmem>>) dst(%dma_wait3A_54 : memref<128x16xf32, #tpu.memory_space<vmem_shared>>)
      tpu.yield
    }) : () -> ()
    %mul3A_13 = arith.constant 640 : i32
    %mul3A_14 = arith.muli %arg1, %mul3A_13 : i32
    %add3A_15 = arith.constant 384 : i32
    %add3A_16 = arith.addi %mul3A_14, %add3A_15 : i32
    "tpu.region"() ({
      %run_scoped3A = tpu.sem_alloc : memref<!tpu.dma_semaphore, #tpu.memory_space<semaphore_mem>>
      %dma_start3A = arith.constant 0 : i32
      %dma_start3A_49 = tpu.memref_slice %arg8[%add3A_16, %dma_start3A] : memref<10240x16xf32, #tpu.memory_space<vmem_shared>> -> memref<128x16xf32, #tpu.memory_space<vmem_shared>>
      %dma_start3A_50 = arith.constant 0 : i32
      %dma_start3A_51 = tpu.memref_slice %arg8[%add3A_16, %dma_start3A_50] : memref<10240x16xf32, #tpu.memory_space<vmem_shared>> -> memref<128x16xf32, #tpu.memory_space<vmem_shared>>
      tpu.enqueue_dma source(%arg11 : memref<128x16xf32, #tpu.memory_space<vmem>>) target(%dma_start3A_51 : memref<128x16xf32, #tpu.memory_space<vmem_shared>>) target_semaphore(%run_scoped3A : memref<!tpu.dma_semaphore, #tpu.memory_space<semaphore_mem>>)
      %dma_wait3A = arith.constant 0 : i32
      %dma_wait3A_52 = tpu.memref_slice %arg8[%add3A_16, %dma_wait3A] : memref<10240x16xf32, #tpu.memory_space<vmem_shared>> -> memref<128x16xf32, #tpu.memory_space<vmem_shared>>
      %dma_wait3A_53 = arith.constant 0 : i32
      %dma_wait3A_54 = tpu.memref_slice %arg8[%add3A_16, %dma_wait3A_53] : memref<10240x16xf32, #tpu.memory_space<vmem_shared>> -> memref<128x16xf32, #tpu.memory_space<vmem_shared>>
      tpu.wait_dma2 semaphore(%run_scoped3A : memref<!tpu.dma_semaphore, #tpu.memory_space<semaphore_mem>>) src(%arg11 : memref<128x16xf32, #tpu.memory_space<vmem>>) dst(%dma_wait3A_54 : memref<128x16xf32, #tpu.memory_space<vmem_shared>>)
      tpu.yield
    }) : () -> ()
    %mul3A_17 = arith.constant 640 : i32
    %mul3A_18 = arith.muli %arg1, %mul3A_17 : i32
    %add3A_19 = arith.constant 512 : i32
    %add3A_20 = arith.addi %mul3A_18, %add3A_19 : i32
    "tpu.region"() ({
      %run_scoped3A = tpu.sem_alloc : memref<!tpu.dma_semaphore, #tpu.memory_space<semaphore_mem>>
      %dma_start3A = arith.constant 0 : i32
      %dma_start3A_49 = tpu.memref_slice %arg8[%add3A_20, %dma_start3A] : memref<10240x16xf32, #tpu.memory_space<vmem_shared>> -> memref<128x16xf32, #tpu.memory_space<vmem_shared>>
      %dma_start3A_50 = arith.constant 0 : i32
      %dma_start3A_51 = tpu.memref_slice %arg8[%add3A_20, %dma_start3A_50] : memref<10240x16xf32, #tpu.memory_space<vmem_shared>> -> memref<128x16xf32, #tpu.memory_space<vmem_shared>>
      tpu.enqueue_dma source(%arg11 : memref<128x16xf32, #tpu.memory_space<vmem>>) target(%dma_start3A_51 : memref<128x16xf32, #tpu.memory_space<vmem_shared>>) target_semaphore(%run_scoped3A : memref<!tpu.dma_semaphore, #tpu.memory_space<semaphore_mem>>)
      %dma_wait3A = arith.constant 0 : i32
      %dma_wait3A_52 = tpu.memref_slice %arg8[%add3A_20, %dma_wait3A] : memref<10240x16xf32, #tpu.memory_space<vmem_shared>> -> memref<128x16xf32, #tpu.memory_space<vmem_shared>>
      %dma_wait3A_53 = arith.constant 0 : i32
      %dma_wait3A_54 = tpu.memref_slice %arg8[%add3A_20, %dma_wait3A_53] : memref<10240x16xf32, #tpu.memory_space<vmem_shared>> -> memref<128x16xf32, #tpu.memory_space<vmem_shared>>
      tpu.wait_dma2 semaphore(%run_scoped3A : memref<!tpu.dma_semaphore, #tpu.memory_space<semaphore_mem>>) src(%arg11 : memref<128x16xf32, #tpu.memory_space<vmem>>) dst(%dma_wait3A_54 : memref<128x16xf32, #tpu.memory_space<vmem_shared>>)
      tpu.yield
    }) : () -> ()
    %barrier3A = arith.constant 0 : index
    tpu.barrier barrier_id(%barrier3A)
    %mul3A_21 = arith.constant 80 : i32
    %mul3A_22 = arith.muli %add3A, %mul3A_21 : i32
    "tpu.region"() ({
      %run_scoped3A = tpu.sem_alloc : memref<!tpu.dma_semaphore, #tpu.memory_space<semaphore_mem>>
      %dma_start3A = arith.constant 0 : i32
      %dma_start3A_49 = tpu.memref_slice %arg3[%mul3A_22, %dma_start3A] : memref<2560x128xi32, #tpu.memory_space<hbm>> -> memref<80x128xi32, #tpu.memory_space<hbm>>
      %dma_start3A_50 = arith.constant 0 : i32
      %dma_start3A_51 = tpu.memref_slice %arg3[%mul3A_22, %dma_start3A_50] : memref<2560x128xi32, #tpu.memory_space<hbm>> -> memref<80x128xi32, #tpu.memory_space<hbm>>
      tpu.enqueue_dma source(%dma_start3A_51 : memref<80x128xi32, #tpu.memory_space<hbm>>) target(%arg10 : memref<80x128xi32, #tpu.memory_space<vmem>>) target_semaphore(%run_scoped3A : memref<!tpu.dma_semaphore, #tpu.memory_space<semaphore_mem>>)
      %dma_wait3A = arith.constant 0 : i32
      %dma_wait3A_52 = tpu.memref_slice %arg3[%mul3A_22, %dma_wait3A] : memref<2560x128xi32, #tpu.memory_space<hbm>> -> memref<80x128xi32, #tpu.memory_space<hbm>>
      %dma_wait3A_53 = arith.constant 0 : i32
      %dma_wait3A_54 = tpu.memref_slice %arg3[%mul3A_22, %dma_wait3A_53] : memref<2560x128xi32, #tpu.memory_space<hbm>> -> memref<80x128xi32, #tpu.memory_space<hbm>>
      tpu.wait_dma2 semaphore(%run_scoped3A : memref<!tpu.dma_semaphore, #tpu.memory_space<semaphore_mem>>) src(%dma_wait3A_54 : memref<80x128xi32, #tpu.memory_space<hbm>>) dst(%arg10 : memref<80x128xi32, #tpu.memory_space<vmem>>)
      tpu.yield
    }) : () -> ()
    "tpu.region"() ({
      %run_scoped3A = tpu.sem_alloc : memref<!tpu.dma_semaphore, #tpu.memory_space<semaphore_mem>>
      tpu.enqueue_dma source(%arg6 : memref<128x16xf32, #tpu.memory_space<hbm>>) target(%arg11 : memref<128x16xf32, #tpu.memory_space<vmem>>) target_semaphore(%run_scoped3A : memref<!tpu.dma_semaphore, #tpu.memory_space<semaphore_mem>>)
      tpu.wait_dma2 semaphore(%run_scoped3A : memref<!tpu.dma_semaphore, #tpu.memory_space<semaphore_mem>>) src(%arg6 : memref<128x16xf32, #tpu.memory_space<hbm>>) dst(%arg11 : memref<128x16xf32, #tpu.memory_space<vmem>>)
      tpu.yield
    }) : () -> ()
    %scan3A = arith.constant 0 : i32
    %scan3A_23 = arith.constant 0 : i32
    %scan3A_24 = arith.constant 80 : i32
    %scan3A_25 = arith.addi %scan3A_23, %scan3A_24 : i32
    %scan3A_26 = arith.constant 1 : i32
    scf.for %scan3A_49 = %scan3A_23 to %scan3A_25 step %scan3A_26  : i32 {
      "tpu.region"() ({
        %run_scoped3A = tpu.sem_alloc : memref<!tpu.dma_semaphore, #tpu.memory_space<semaphore_mem>>
        %dma_start3A = arith.constant 0 : i32
        %dma_start3A_50 = tpu.memref_slice %arg10[%scan3A_49, %dma_start3A] : memref<80x128xi32, #tpu.memory_space<vmem>> -> memref<1x128xi32, #tpu.memory_space<vmem>>
        %dma_start3A_51 = tpu.memref_squeeze %dma_start3A_50 : memref<1x128xi32, #tpu.memory_space<vmem>> -> memref<128xi32, #tpu.memory_space<vmem>>
        %dma_start3A_52 = arith.constant 0 : i32
        %dma_start3A_53 = arith.constant 0 : i32
        %dma_start3A_54 = tpu.memref_slice %arg8[%dma_start3A_52, %dma_start3A_53] : memref<10240x16xf32, #tpu.memory_space<vmem_shared>> -> memref<10240x16xf32, #tpu.memory_space<vmem_shared>>
        tpu.enqueue_indirect_dma source(%arg11 : memref<128x16xf32, #tpu.memory_space<vmem>>) target(%dma_start3A_54 : memref<10240x16xf32, #tpu.memory_space<vmem_shared>>) offsets(%dma_start3A_51 : memref<128xi32, #tpu.memory_space<vmem>>) semaphore(%run_scoped3A : memref<!tpu.dma_semaphore, #tpu.memory_space<semaphore_mem>>) {add = true}
        %dma_wait3A = arith.constant 0 : i32
        %dma_wait3A_55 = tpu.memref_slice %arg10[%scan3A_49, %dma_wait3A] : memref<80x128xi32, #tpu.memory_space<vmem>> -> memref<1x128xi32, #tpu.memory_space<vmem>>
        %dma_wait3A_56 = tpu.memref_squeeze %dma_wait3A_55 : memref<1x128xi32, #tpu.memory_space<vmem>> -> memref<128xi32, #tpu.memory_space<vmem>>
        %dma_wait3A_57 = arith.constant 0 : i32
        %dma_wait3A_58 = arith.constant 0 : i32
        %dma_wait3A_59 = tpu.memref_slice %arg8[%dma_wait3A_57, %dma_wait3A_58] : memref<10240x16xf32, #tpu.memory_space<vmem_shared>> -> memref<10240x16xf32, #tpu.memory_space<vmem_shared>>
        tpu.wait_indirect_dma semaphore(%run_scoped3A : memref<!tpu.dma_semaphore, #tpu.memory_space<semaphore_mem>>) src(%arg11 : memref<128x16xf32, #tpu.memory_space<vmem>>) dst(%dma_wait3A_59 : memref<10240x16xf32, #tpu.memory_space<vmem_shared>>)
        tpu.yield
      }) : () -> ()
    }
    %scan3A_27 = arith.constant 80 : i32
    %barrier3A_28 = arith.constant 0 : index
    tpu.barrier barrier_id(%barrier3A_28)
    %mul3A_29 = arith.constant 640 : i32
    %mul3A_30 = arith.muli %arg1, %mul3A_29 : i32
    %add3A_31 = arith.constant 0 : i32
    %add3A_32 = arith.addi %mul3A_30, %add3A_31 : i32
    "tpu.region"() ({
      %run_scoped3A = tpu.sem_alloc : memref<!tpu.dma_semaphore, #tpu.memory_space<semaphore_mem>>
      %dma_start3A = arith.constant 0 : i32
      %dma_start3A_49 = tpu.memref_slice %arg8[%add3A_32, %dma_start3A] : memref<10240x16xf32, #tpu.memory_space<vmem_shared>> -> memref<128x16xf32, #tpu.memory_space<vmem_shared>>
      %dma_start3A_50 = arith.constant 0 : i32
      %dma_start3A_51 = tpu.memref_slice %arg8[%add3A_32, %dma_start3A_50] : memref<10240x16xf32, #tpu.memory_space<vmem_shared>> -> memref<128x16xf32, #tpu.memory_space<vmem_shared>>
      tpu.enqueue_dma source(%dma_start3A_51 : memref<128x16xf32, #tpu.memory_space<vmem_shared>>) target(%arg11 : memref<128x16xf32, #tpu.memory_space<vmem>>) target_semaphore(%run_scoped3A : memref<!tpu.dma_semaphore, #tpu.memory_space<semaphore_mem>>)
      %dma_wait3A = arith.constant 0 : i32
      %dma_wait3A_52 = tpu.memref_slice %arg8[%add3A_32, %dma_wait3A] : memref<10240x16xf32, #tpu.memory_space<vmem_shared>> -> memref<128x16xf32, #tpu.memory_space<vmem_shared>>
      %dma_wait3A_53 = arith.constant 0 : i32
      %dma_wait3A_54 = tpu.memref_slice %arg8[%add3A_32, %dma_wait3A_53] : memref<10240x16xf32, #tpu.memory_space<vmem_shared>> -> memref<128x16xf32, #tpu.memory_space<vmem_shared>>
      tpu.wait_dma2 semaphore(%run_scoped3A : memref<!tpu.dma_semaphore, #tpu.memory_space<semaphore_mem>>) src(%dma_wait3A_54 : memref<128x16xf32, #tpu.memory_space<vmem_shared>>) dst(%arg11 : memref<128x16xf32, #tpu.memory_space<vmem>>)
      tpu.yield
    }) : () -> ()
    "tpu.region"() ({
      %run_scoped3A = tpu.sem_alloc : memref<!tpu.dma_semaphore, #tpu.memory_space<semaphore_mem>>
      %dma_start3A = arith.constant 0 : i32
      %dma_start3A_49 = tpu.memref_slice %arg7[%arg0, %add3A_32, %dma_start3A] : memref<2x10240x16xf32, #tpu.memory_space<hbm>> -> memref<1x128x16xf32, #tpu.memory_space<hbm>>
      %dma_start3A_50 = tpu.memref_squeeze %dma_start3A_49 : memref<1x128x16xf32, #tpu.memory_space<hbm>> -> memref<128x16xf32, #tpu.memory_space<hbm>>
      %dma_start3A_51 = arith.constant 0 : i32
      %dma_start3A_52 = tpu.memref_slice %arg7[%arg0, %add3A_32, %dma_start3A_51] : memref<2x10240x16xf32, #tpu.memory_space<hbm>> -> memref<1x128x16xf32, #tpu.memory_space<hbm>>
      %dma_start3A_53 = tpu.memref_squeeze %dma_start3A_52 : memref<1x128x16xf32, #tpu.memory_space<hbm>> -> memref<128x16xf32, #tpu.memory_space<hbm>>
      tpu.enqueue_dma source(%arg11 : memref<128x16xf32, #tpu.memory_space<vmem>>) target(%dma_start3A_53 : memref<128x16xf32, #tpu.memory_space<hbm>>) target_semaphore(%run_scoped3A : memref<!tpu.dma_semaphore, #tpu.memory_space<semaphore_mem>>)
      %dma_wait3A = arith.constant 0 : i32
      %dma_wait3A_54 = tpu.memref_slice %arg7[%arg0, %add3A_32, %dma_wait3A] : memref<2x10240x16xf32, #tpu.memory_space<hbm>> -> memref<1x128x16xf32, #tpu.memory_space<hbm>>
      %dma_wait3A_55 = tpu.memref_squeeze %dma_wait3A_54 : memref<1x128x16xf32, #tpu.memory_space<hbm>> -> memref<128x16xf32, #tpu.memory_space<hbm>>
      %dma_wait3A_56 = arith.constant 0 : i32
      %dma_wait3A_57 = tpu.memref_slice %arg7[%arg0, %add3A_32, %dma_wait3A_56] : memref<2x10240x16xf32, #tpu.memory_space<hbm>> -> memref<1x128x16xf32, #tpu.memory_space<hbm>>
      %dma_wait3A_58 = tpu.memref_squeeze %dma_wait3A_57 : memref<1x128x16xf32, #tpu.memory_space<hbm>> -> memref<128x16xf32, #tpu.memory_space<hbm>>
      tpu.wait_dma2 semaphore(%run_scoped3A : memref<!tpu.dma_semaphore, #tpu.memory_space<semaphore_mem>>) src(%arg11 : memref<128x16xf32, #tpu.memory_space<vmem>>) dst(%dma_wait3A_58 : memref<128x16xf32, #tpu.memory_space<hbm>>)
      tpu.yield
    }) : () -> ()
    %mul3A_33 = arith.constant 640 : i32
    %mul3A_34 = arith.muli %arg1, %mul3A_33 : i32
    %add3A_35 = arith.constant 128 : i32
    %add3A_36 = arith.addi %mul3A_34, %add3A_35 : i32
    "tpu.region"() ({
      %run_scoped3A = tpu.sem_alloc : memref<!tpu.dma_semaphore, #tpu.memory_space<semaphore_mem>>
      %dma_start3A = arith.constant 0 : i32
      %dma_start3A_49 = tpu.memref_slice %arg8[%add3A_36, %dma_start3A] : memref<10240x16xf32, #tpu.memory_space<vmem_shared>> -> memref<128x16xf32, #tpu.memory_space<vmem_shared>>
      %dma_start3A_50 = arith.constant 0 : i32
      %dma_start3A_51 = tpu.memref_slice %arg8[%add3A_36, %dma_start3A_50] : memref<10240x16xf32, #tpu.memory_space<vmem_shared>> -> memref<128x16xf32, #tpu.memory_space<vmem_shared>>
      tpu.enqueue_dma source(%dma_start3A_51 : memref<128x16xf32, #tpu.memory_space<vmem_shared>>) target(%arg11 : memref<128x16xf32, #tpu.memory_space<vmem>>) target_semaphore(%run_scoped3A : memref<!tpu.dma_semaphore, #tpu.memory_space<semaphore_mem>>)
      %dma_wait3A = arith.constant 0 : i32
      %dma_wait3A_52 = tpu.memref_slice %arg8[%add3A_36, %dma_wait3A] : memref<10240x16xf32, #tpu.memory_space<vmem_shared>> -> memref<128x16xf32, #tpu.memory_space<vmem_shared>>
      %dma_wait3A_53 = arith.constant 0 : i32
      %dma_wait3A_54 = tpu.memref_slice %arg8[%add3A_36, %dma_wait3A_53] : memref<10240x16xf32, #tpu.memory_space<vmem_shared>> -> memref<128x16xf32, #tpu.memory_space<vmem_shared>>
      tpu.wait_dma2 semaphore(%run_scoped3A : memref<!tpu.dma_semaphore, #tpu.memory_space<semaphore_mem>>) src(%dma_wait3A_54 : memref<128x16xf32, #tpu.memory_space<vmem_shared>>) dst(%arg11 : memref<128x16xf32, #tpu.memory_space<vmem>>)
      tpu.yield
    }) : () -> ()
    "tpu.region"() ({
      %run_scoped3A = tpu.sem_alloc : memref<!tpu.dma_semaphore, #tpu.memory_space<semaphore_mem>>
      %dma_start3A = arith.constant 0 : i32
      %dma_start3A_49 = tpu.memref_slice %arg7[%arg0, %add3A_36, %dma_start3A] : memref<2x10240x16xf32, #tpu.memory_space<hbm>> -> memref<1x128x16xf32, #tpu.memory_space<hbm>>
      %dma_start3A_50 = tpu.memref_squeeze %dma_start3A_49 : memref<1x128x16xf32, #tpu.memory_space<hbm>> -> memref<128x16xf32, #tpu.memory_space<hbm>>
      %dma_start3A_51 = arith.constant 0 : i32
      %dma_start3A_52 = tpu.memref_slice %arg7[%arg0, %add3A_36, %dma_start3A_51] : memref<2x10240x16xf32, #tpu.memory_space<hbm>> -> memref<1x128x16xf32, #tpu.memory_space<hbm>>
      %dma_start3A_53 = tpu.memref_squeeze %dma_start3A_52 : memref<1x128x16xf32, #tpu.memory_space<hbm>> -> memref<128x16xf32, #tpu.memory_space<hbm>>
      tpu.enqueue_dma source(%arg11 : memref<128x16xf32, #tpu.memory_space<vmem>>) target(%dma_start3A_53 : memref<128x16xf32, #tpu.memory_space<hbm>>) target_semaphore(%run_scoped3A : memref<!tpu.dma_semaphore, #tpu.memory_space<semaphore_mem>>)
      %dma_wait3A = arith.constant 0 : i32
      %dma_wait3A_54 = tpu.memref_slice %arg7[%arg0, %add3A_36, %dma_wait3A] : memref<2x10240x16xf32, #tpu.memory_space<hbm>> -> memref<1x128x16xf32, #tpu.memory_space<hbm>>
      %dma_wait3A_55 = tpu.memref_squeeze %dma_wait3A_54 : memref<1x128x16xf32, #tpu.memory_space<hbm>> -> memref<128x16xf32, #tpu.memory_space<hbm>>
      %dma_wait3A_56 = arith.constant 0 : i32
      %dma_wait3A_57 = tpu.memref_slice %arg7[%arg0, %add3A_36, %dma_wait3A_56] : memref<2x10240x16xf32, #tpu.memory_space<hbm>> -> memref<1x128x16xf32, #tpu.memory_space<hbm>>
      %dma_wait3A_58 = tpu.memref_squeeze %dma_wait3A_57 : memref<1x128x16xf32, #tpu.memory_space<hbm>> -> memref<128x16xf32, #tpu.memory_space<hbm>>
      tpu.wait_dma2 semaphore(%run_scoped3A : memref<!tpu.dma_semaphore, #tpu.memory_space<semaphore_mem>>) src(%arg11 : memref<128x16xf32, #tpu.memory_space<vmem>>) dst(%dma_wait3A_58 : memref<128x16xf32, #tpu.memory_space<hbm>>)
      tpu.yield
    }) : () -> ()
    %mul3A_37 = arith.constant 640 : i32
    %mul3A_38 = arith.muli %arg1, %mul3A_37 : i32
    %add3A_39 = arith.constant 256 : i32
    %add3A_40 = arith.addi %mul3A_38, %add3A_39 : i32
    "tpu.region"() ({
      %run_scoped3A = tpu.sem_alloc : memref<!tpu.dma_semaphore, #tpu.memory_space<semaphore_mem>>
      %dma_start3A = arith.constant 0 : i32
      %dma_start3A_49 = tpu.memref_slice %arg8[%add3A_40, %dma_start3A] : memref<10240x16xf32, #tpu.memory_space<vmem_shared>> -> memref<128x16xf32, #tpu.memory_space<vmem_shared>>
      %dma_start3A_50 = arith.constant 0 : i32
      %dma_start3A_51 = tpu.memref_slice %arg8[%add3A_40, %dma_start3A_50] : memref<10240x16xf32, #tpu.memory_space<vmem_shared>> -> memref<128x16xf32, #tpu.memory_space<vmem_shared>>
      tpu.enqueue_dma source(%dma_start3A_51 : memref<128x16xf32, #tpu.memory_space<vmem_shared>>) target(%arg11 : memref<128x16xf32, #tpu.memory_space<vmem>>) target_semaphore(%run_scoped3A : memref<!tpu.dma_semaphore, #tpu.memory_space<semaphore_mem>>)
      %dma_wait3A = arith.constant 0 : i32
      %dma_wait3A_52 = tpu.memref_slice %arg8[%add3A_40, %dma_wait3A] : memref<10240x16xf32, #tpu.memory_space<vmem_shared>> -> memref<128x16xf32, #tpu.memory_space<vmem_shared>>
      %dma_wait3A_53 = arith.constant 0 : i32
      %dma_wait3A_54 = tpu.memref_slice %arg8[%add3A_40, %dma_wait3A_53] : memref<10240x16xf32, #tpu.memory_space<vmem_shared>> -> memref<128x16xf32, #tpu.memory_space<vmem_shared>>
      tpu.wait_dma2 semaphore(%run_scoped3A : memref<!tpu.dma_semaphore, #tpu.memory_space<semaphore_mem>>) src(%dma_wait3A_54 : memref<128x16xf32, #tpu.memory_space<vmem_shared>>) dst(%arg11 : memref<128x16xf32, #tpu.memory_space<vmem>>)
      tpu.yield
    }) : () -> ()
    "tpu.region"() ({
      %run_scoped3A = tpu.sem_alloc : memref<!tpu.dma_semaphore, #tpu.memory_space<semaphore_mem>>
      %dma_start3A = arith.constant 0 : i32
      %dma_start3A_49 = tpu.memref_slice %arg7[%arg0, %add3A_40, %dma_start3A] : memref<2x10240x16xf32, #tpu.memory_space<hbm>> -> memref<1x128x16xf32, #tpu.memory_space<hbm>>
      %dma_start3A_50 = tpu.memref_squeeze %dma_start3A_49 : memref<1x128x16xf32, #tpu.memory_space<hbm>> -> memref<128x16xf32, #tpu.memory_space<hbm>>
      %dma_start3A_51 = arith.constant 0 : i32
      %dma_start3A_52 = tpu.memref_slice %arg7[%arg0, %add3A_40, %dma_start3A_51] : memref<2x10240x16xf32, #tpu.memory_space<hbm>> -> memref<1x128x16xf32, #tpu.memory_space<hbm>>
      %dma_start3A_53 = tpu.memref_squeeze %dma_start3A_52 : memref<1x128x16xf32, #tpu.memory_space<hbm>> -> memref<128x16xf32, #tpu.memory_space<hbm>>
      tpu.enqueue_dma source(%arg11 : memref<128x16xf32, #tpu.memory_space<vmem>>) target(%dma_start3A_53 : memref<128x16xf32, #tpu.memory_space<hbm>>) target_semaphore(%run_scoped3A : memref<!tpu.dma_semaphore, #tpu.memory_space<semaphore_mem>>)
      %dma_wait3A = arith.constant 0 : i32
      %dma_wait3A_54 = tpu.memref_slice %arg7[%arg0, %add3A_40, %dma_wait3A] : memref<2x10240x16xf32, #tpu.memory_space<hbm>> -> memref<1x128x16xf32, #tpu.memory_space<hbm>>
      %dma_wait3A_55 = tpu.memref_squeeze %dma_wait3A_54 : memref<1x128x16xf32, #tpu.memory_space<hbm>> -> memref<128x16xf32, #tpu.memory_space<hbm>>
      %dma_wait3A_56 = arith.constant 0 : i32
      %dma_wait3A_57 = tpu.memref_slice %arg7[%arg0, %add3A_40, %dma_wait3A_56] : memref<2x10240x16xf32, #tpu.memory_space<hbm>> -> memref<1x128x16xf32, #tpu.memory_space<hbm>>
      %dma_wait3A_58 = tpu.memref_squeeze %dma_wait3A_57 : memref<1x128x16xf32, #tpu.memory_space<hbm>> -> memref<128x16xf32, #tpu.memory_space<hbm>>
      tpu.wait_dma2 semaphore(%run_scoped3A : memref<!tpu.dma_semaphore, #tpu.memory_space<semaphore_mem>>) src(%arg11 : memref<128x16xf32, #tpu.memory_space<vmem>>) dst(%dma_wait3A_58 : memref<128x16xf32, #tpu.memory_space<hbm>>)
      tpu.yield
    }) : () -> ()
    %mul3A_41 = arith.constant 640 : i32
    %mul3A_42 = arith.muli %arg1, %mul3A_41 : i32
    %add3A_43 = arith.constant 384 : i32
    %add3A_44 = arith.addi %mul3A_42, %add3A_43 : i32
    "tpu.region"() ({
      %run_scoped3A = tpu.sem_alloc : memref<!tpu.dma_semaphore, #tpu.memory_space<semaphore_mem>>
      %dma_start3A = arith.constant 0 : i32
      %dma_start3A_49 = tpu.memref_slice %arg8[%add3A_44, %dma_start3A] : memref<10240x16xf32, #tpu.memory_space<vmem_shared>> -> memref<128x16xf32, #tpu.memory_space<vmem_shared>>
      %dma_start3A_50 = arith.constant 0 : i32
      %dma_start3A_51 = tpu.memref_slice %arg8[%add3A_44, %dma_start3A_50] : memref<10240x16xf32, #tpu.memory_space<vmem_shared>> -> memref<128x16xf32, #tpu.memory_space<vmem_shared>>
      tpu.enqueue_dma source(%dma_start3A_51 : memref<128x16xf32, #tpu.memory_space<vmem_shared>>) target(%arg11 : memref<128x16xf32, #tpu.memory_space<vmem>>) target_semaphore(%run_scoped3A : memref<!tpu.dma_semaphore, #tpu.memory_space<semaphore_mem>>)
      %dma_wait3A = arith.constant 0 : i32
      %dma_wait3A_52 = tpu.memref_slice %arg8[%add3A_44, %dma_wait3A] : memref<10240x16xf32, #tpu.memory_space<vmem_shared>> -> memref<128x16xf32, #tpu.memory_space<vmem_shared>>
      %dma_wait3A_53 = arith.constant 0 : i32
      %dma_wait3A_54 = tpu.memref_slice %arg8[%add3A_44, %dma_wait3A_53] : memref<10240x16xf32, #tpu.memory_space<vmem_shared>> -> memref<128x16xf32, #tpu.memory_space<vmem_shared>>
      tpu.wait_dma2 semaphore(%run_scoped3A : memref<!tpu.dma_semaphore, #tpu.memory_space<semaphore_mem>>) src(%dma_wait3A_54 : memref<128x16xf32, #tpu.memory_space<vmem_shared>>) dst(%arg11 : memref<128x16xf32, #tpu.memory_space<vmem>>)
      tpu.yield
    }) : () -> ()
    "tpu.region"() ({
      %run_scoped3A = tpu.sem_alloc : memref<!tpu.dma_semaphore, #tpu.memory_space<semaphore_mem>>
      %dma_start3A = arith.constant 0 : i32
      %dma_start3A_49 = tpu.memref_slice %arg7[%arg0, %add3A_44, %dma_start3A] : memref<2x10240x16xf32, #tpu.memory_space<hbm>> -> memref<1x128x16xf32, #tpu.memory_space<hbm>>
      %dma_start3A_50 = tpu.memref_squeeze %dma_start3A_49 : memref<1x128x16xf32, #tpu.memory_space<hbm>> -> memref<128x16xf32, #tpu.memory_space<hbm>>
      %dma_start3A_51 = arith.constant 0 : i32
      %dma_start3A_52 = tpu.memref_slice %arg7[%arg0, %add3A_44, %dma_start3A_51] : memref<2x10240x16xf32, #tpu.memory_space<hbm>> -> memref<1x128x16xf32, #tpu.memory_space<hbm>>
      %dma_start3A_53 = tpu.memref_squeeze %dma_start3A_52 : memref<1x128x16xf32, #tpu.memory_space<hbm>> -> memref<128x16xf32, #tpu.memory_space<hbm>>
      tpu.enqueue_dma source(%arg11 : memref<128x16xf32, #tpu.memory_space<vmem>>) target(%dma_start3A_53 : memref<128x16xf32, #tpu.memory_space<hbm>>) target_semaphore(%run_scoped3A : memref<!tpu.dma_semaphore, #tpu.memory_space<semaphore_mem>>)
      %dma_wait3A = arith.constant 0 : i32
      %dma_wait3A_54 = tpu.memref_slice %arg7[%arg0, %add3A_44, %dma_wait3A] : memref<2x10240x16xf32, #tpu.memory_space<hbm>> -> memref<1x128x16xf32, #tpu.memory_space<hbm>>
      %dma_wait3A_55 = tpu.memref_squeeze %dma_wait3A_54 : memref<1x128x16xf32, #tpu.memory_space<hbm>> -> memref<128x16xf32, #tpu.memory_space<hbm>>
      %dma_wait3A_56 = arith.constant 0 : i32
      %dma_wait3A_57 = tpu.memref_slice %arg7[%arg0, %add3A_44, %dma_wait3A_56] : memref<2x10240x16xf32, #tpu.memory_space<hbm>> -> memref<1x128x16xf32, #tpu.memory_space<hbm>>
      %dma_wait3A_58 = tpu.memref_squeeze %dma_wait3A_57 : memref<1x128x16xf32, #tpu.memory_space<hbm>> -> memref<128x16xf32, #tpu.memory_space<hbm>>
      tpu.wait_dma2 semaphore(%run_scoped3A : memref<!tpu.dma_semaphore, #tpu.memory_space<semaphore_mem>>) src(%arg11 : memref<128x16xf32, #tpu.memory_space<vmem>>) dst(%dma_wait3A_58 : memref<128x16xf32, #tpu.memory_space<hbm>>)
      tpu.yield
    }) : () -> ()
    %mul3A_45 = arith.constant 640 : i32
    %mul3A_46 = arith.muli %arg1, %mul3A_45 : i32
    %add3A_47 = arith.constant 512 : i32
    %add3A_48 = arith.addi %mul3A_46, %add3A_47 : i32
    "tpu.region"() ({
      %run_scoped3A = tpu.sem_alloc : memref<!tpu.dma_semaphore, #tpu.memory_space<semaphore_mem>>
      %dma_start3A = arith.constant 0 : i32
      %dma_start3A_49 = tpu.memref_slice %arg8[%add3A_48, %dma_start3A] : memref<10240x16xf32, #tpu.memory_space<vmem_shared>> -> memref<128x16xf32, #tpu.memory_space<vmem_shared>>
      %dma_start3A_50 = arith.constant 0 : i32
      %dma_start3A_51 = tpu.memref_slice %arg8[%add3A_48, %dma_start3A_50] : memref<10240x16xf32, #tpu.memory_space<vmem_shared>> -> memref<128x16xf32, #tpu.memory_space<vmem_shared>>
      tpu.enqueue_dma source(%dma_start3A_51 : memref<128x16xf32, #tpu.memory_space<vmem_shared>>) target(%arg11 : memref<128x16xf32, #tpu.memory_space<vmem>>) target_semaphore(%run_scoped3A : memref<!tpu.dma_semaphore, #tpu.memory_space<semaphore_mem>>)
      %dma_wait3A = arith.constant 0 : i32
      %dma_wait3A_52 = tpu.memref_slice %arg8[%add3A_48, %dma_wait3A] : memref<10240x16xf32, #tpu.memory_space<vmem_shared>> -> memref<128x16xf32, #tpu.memory_space<vmem_shared>>
      %dma_wait3A_53 = arith.constant 0 : i32
      %dma_wait3A_54 = tpu.memref_slice %arg8[%add3A_48, %dma_wait3A_53] : memref<10240x16xf32, #tpu.memory_space<vmem_shared>> -> memref<128x16xf32, #tpu.memory_space<vmem_shared>>
      tpu.wait_dma2 semaphore(%run_scoped3A : memref<!tpu.dma_semaphore, #tpu.memory_space<semaphore_mem>>) src(%dma_wait3A_54 : memref<128x16xf32, #tpu.memory_space<vmem_shared>>) dst(%arg11 : memref<128x16xf32, #tpu.memory_space<vmem>>)
      tpu.yield
    }) : () -> ()
    "tpu.region"() ({
      %run_scoped3A = tpu.sem_alloc : memref<!tpu.dma_semaphore, #tpu.memory_space<semaphore_mem>>
      %dma_start3A = arith.constant 0 : i32
      %dma_start3A_49 = tpu.memref_slice %arg7[%arg0, %add3A_48, %dma_start3A] : memref<2x10240x16xf32, #tpu.memory_space<hbm>> -> memref<1x128x16xf32, #tpu.memory_space<hbm>>
      %dma_start3A_50 = tpu.memref_squeeze %dma_start3A_49 : memref<1x128x16xf32, #tpu.memory_space<hbm>> -> memref<128x16xf32, #tpu.memory_space<hbm>>
      %dma_start3A_51 = arith.constant 0 : i32
      %dma_start3A_52 = tpu.memref_slice %arg7[%arg0, %add3A_48, %dma_start3A_51] : memref<2x10240x16xf32, #tpu.memory_space<hbm>> -> memref<1x128x16xf32, #tpu.memory_space<hbm>>
      %dma_start3A_53 = tpu.memref_squeeze %dma_start3A_52 : memref<1x128x16xf32, #tpu.memory_space<hbm>> -> memref<128x16xf32, #tpu.memory_space<hbm>>
      tpu.enqueue_dma source(%arg11 : memref<128x16xf32, #tpu.memory_space<vmem>>) target(%dma_start3A_53 : memref<128x16xf32, #tpu.memory_space<hbm>>) target_semaphore(%run_scoped3A : memref<!tpu.dma_semaphore, #tpu.memory_space<semaphore_mem>>)
      %dma_wait3A = arith.constant 0 : i32
      %dma_wait3A_54 = tpu.memref_slice %arg7[%arg0, %add3A_48, %dma_wait3A] : memref<2x10240x16xf32, #tpu.memory_space<hbm>> -> memref<1x128x16xf32, #tpu.memory_space<hbm>>
      %dma_wait3A_55 = tpu.memref_squeeze %dma_wait3A_54 : memref<1x128x16xf32, #tpu.memory_space<hbm>> -> memref<128x16xf32, #tpu.memory_space<hbm>>
      %dma_wait3A_56 = arith.constant 0 : i32
      %dma_wait3A_57 = tpu.memref_slice %arg7[%arg0, %add3A_48, %dma_wait3A_56] : memref<2x10240x16xf32, #tpu.memory_space<hbm>> -> memref<1x128x16xf32, #tpu.memory_space<hbm>>
      %dma_wait3A_58 = tpu.memref_squeeze %dma_wait3A_57 : memref<1x128x16xf32, #tpu.memory_space<hbm>> -> memref<128x16xf32, #tpu.memory_space<hbm>>
      tpu.wait_dma2 semaphore(%run_scoped3A : memref<!tpu.dma_semaphore, #tpu.memory_space<semaphore_mem>>) src(%arg11 : memref<128x16xf32, #tpu.memory_space<vmem>>) dst(%dma_wait3A_58 : memref<128x16xf32, #tpu.memory_space<hbm>>)
      tpu.yield
    }) : () -> ()
    return
  }
}

#map = affine_map<(d0, d1) -> (0, 0)>
#map1 = affine_map<(d0, d1) -> (0, 0, 0)>
module attributes {stable_mosaic.version = 14 : i64} {
  func.func @_sc_scatter_body(%arg0: i32, %arg1: i32, %arg2: memref<2560x128xi32, #tpu.memory_space<hbm>>, %arg3: memref<2560x128xi32, #tpu.memory_space<hbm>>, %arg4: memref<10000x64xf32, #tpu.memory_space<hbm>>, %arg5: memref<128x64xf32, #tpu.memory_space<hbm>>, %arg6: memref<128x64xf32, #tpu.memory_space<hbm>>, %arg7: memref<2x10240x64xf32, #tpu.memory_space<hbm>>, %arg8: memref<10240x64xf32, #tpu.memory_space<vmem_shared>>, %arg9: memref<80x128xi32, #tpu.memory_space<vmem>>, %arg10: memref<80x128xi32, #tpu.memory_space<vmem>>, %arg11: memref<128x64xf32, #tpu.memory_space<vmem>>, %arg12: memref<!tpu.dma_semaphore, #tpu.memory_space<semaphore_mem>>) attributes {dimension_semantics = [#tpu.dimension_semantics<core_parallel>, #tpu.dimension_semantics<subcore_parallel>], iteration_bounds = array<i64: 2, 16>, scalar_prefetch = 0 : i64, scratch_operands = 5 : i64, tpu.core_type = #tpu.core_type<sc_vector_subcore>, window_params = [{transform_indices = #map}, {transform_indices = #map}, {transform_indices = #map}, {transform_indices = #map}, {transform_indices = #map}, {transform_indices = #map1}]} {
    %mul3A = arith.constant 2 : i32
    %mul3A_0 = arith.muli %arg1, %mul3A : i32
    %add3A = arith.addi %mul3A_0, %arg0 : i32
    "tpu.region"() ({
      %run_scoped3A = tpu.sem_alloc : memref<!tpu.dma_semaphore, #tpu.memory_space<semaphore_mem>>
      tpu.enqueue_dma source(%arg5 : memref<128x64xf32, #tpu.memory_space<hbm>>) target(%arg11 : memref<128x64xf32, #tpu.memory_space<vmem>>) target_semaphore(%run_scoped3A : memref<!tpu.dma_semaphore, #tpu.memory_space<semaphore_mem>>)
      tpu.wait_dma2 semaphore(%run_scoped3A : memref<!tpu.dma_semaphore, #tpu.memory_space<semaphore_mem>>) src(%arg5 : memref<128x64xf32, #tpu.memory_space<hbm>>) dst(%arg11 : memref<128x64xf32, #tpu.memory_space<vmem>>)
      tpu.yield
    }) : () -> ()
    %mul3A_1 = arith.constant 640 : i32
    %mul3A_2 = arith.muli %arg1, %mul3A_1 : i32
    %add3A_3 = arith.constant 0 : i32
    %add3A_4 = arith.addi %mul3A_2, %add3A_3 : i32
    "tpu.region"() ({
      %run_scoped3A = tpu.sem_alloc : memref<!tpu.dma_semaphore, #tpu.memory_space<semaphore_mem>>
      %dma_start3A = arith.constant 0 : i32
      %dma_start3A_51 = tpu.memref_slice %arg8[%add3A_4, %dma_start3A] : memref<10240x64xf32, #tpu.memory_space<vmem_shared>> -> memref<128x64xf32, #tpu.memory_space<vmem_shared>>
      %dma_start3A_52 = arith.constant 0 : i32
      %dma_start3A_53 = tpu.memref_slice %arg8[%add3A_4, %dma_start3A_52] : memref<10240x64xf32, #tpu.memory_space<vmem_shared>> -> memref<128x64xf32, #tpu.memory_space<vmem_shared>>
      tpu.enqueue_dma source(%arg11 : memref<128x64xf32, #tpu.memory_space<vmem>>) target(%dma_start3A_53 : memref<128x64xf32, #tpu.memory_space<vmem_shared>>) target_semaphore(%run_scoped3A : memref<!tpu.dma_semaphore, #tpu.memory_space<semaphore_mem>>)
      %dma_wait3A = arith.constant 0 : i32
      %dma_wait3A_54 = tpu.memref_slice %arg8[%add3A_4, %dma_wait3A] : memref<10240x64xf32, #tpu.memory_space<vmem_shared>> -> memref<128x64xf32, #tpu.memory_space<vmem_shared>>
      %dma_wait3A_55 = arith.constant 0 : i32
      %dma_wait3A_56 = tpu.memref_slice %arg8[%add3A_4, %dma_wait3A_55] : memref<10240x64xf32, #tpu.memory_space<vmem_shared>> -> memref<128x64xf32, #tpu.memory_space<vmem_shared>>
      tpu.wait_dma2 semaphore(%run_scoped3A : memref<!tpu.dma_semaphore, #tpu.memory_space<semaphore_mem>>) src(%arg11 : memref<128x64xf32, #tpu.memory_space<vmem>>) dst(%dma_wait3A_56 : memref<128x64xf32, #tpu.memory_space<vmem_shared>>)
      tpu.yield
    }) : () -> ()
    %mul3A_5 = arith.constant 640 : i32
    %mul3A_6 = arith.muli %arg1, %mul3A_5 : i32
    %add3A_7 = arith.constant 128 : i32
    %add3A_8 = arith.addi %mul3A_6, %add3A_7 : i32
    "tpu.region"() ({
      %run_scoped3A = tpu.sem_alloc : memref<!tpu.dma_semaphore, #tpu.memory_space<semaphore_mem>>
      %dma_start3A = arith.constant 0 : i32
      %dma_start3A_51 = tpu.memref_slice %arg8[%add3A_8, %dma_start3A] : memref<10240x64xf32, #tpu.memory_space<vmem_shared>> -> memref<128x64xf32, #tpu.memory_space<vmem_shared>>
      %dma_start3A_52 = arith.constant 0 : i32
      %dma_start3A_53 = tpu.memref_slice %arg8[%add3A_8, %dma_start3A_52] : memref<10240x64xf32, #tpu.memory_space<vmem_shared>> -> memref<128x64xf32, #tpu.memory_space<vmem_shared>>
      tpu.enqueue_dma source(%arg11 : memref<128x64xf32, #tpu.memory_space<vmem>>) target(%dma_start3A_53 : memref<128x64xf32, #tpu.memory_space<vmem_shared>>) target_semaphore(%run_scoped3A : memref<!tpu.dma_semaphore, #tpu.memory_space<semaphore_mem>>)
      %dma_wait3A = arith.constant 0 : i32
      %dma_wait3A_54 = tpu.memref_slice %arg8[%add3A_8, %dma_wait3A] : memref<10240x64xf32, #tpu.memory_space<vmem_shared>> -> memref<128x64xf32, #tpu.memory_space<vmem_shared>>
      %dma_wait3A_55 = arith.constant 0 : i32
      %dma_wait3A_56 = tpu.memref_slice %arg8[%add3A_8, %dma_wait3A_55] : memref<10240x64xf32, #tpu.memory_space<vmem_shared>> -> memref<128x64xf32, #tpu.memory_space<vmem_shared>>
      tpu.wait_dma2 semaphore(%run_scoped3A : memref<!tpu.dma_semaphore, #tpu.memory_space<semaphore_mem>>) src(%arg11 : memref<128x64xf32, #tpu.memory_space<vmem>>) dst(%dma_wait3A_56 : memref<128x64xf32, #tpu.memory_space<vmem_shared>>)
      tpu.yield
    }) : () -> ()
    %mul3A_9 = arith.constant 640 : i32
    %mul3A_10 = arith.muli %arg1, %mul3A_9 : i32
    %add3A_11 = arith.constant 256 : i32
    %add3A_12 = arith.addi %mul3A_10, %add3A_11 : i32
    "tpu.region"() ({
      %run_scoped3A = tpu.sem_alloc : memref<!tpu.dma_semaphore, #tpu.memory_space<semaphore_mem>>
      %dma_start3A = arith.constant 0 : i32
      %dma_start3A_51 = tpu.memref_slice %arg8[%add3A_12, %dma_start3A] : memref<10240x64xf32, #tpu.memory_space<vmem_shared>> -> memref<128x64xf32, #tpu.memory_space<vmem_shared>>
      %dma_start3A_52 = arith.constant 0 : i32
      %dma_start3A_53 = tpu.memref_slice %arg8[%add3A_12, %dma_start3A_52] : memref<10240x64xf32, #tpu.memory_space<vmem_shared>> -> memref<128x64xf32, #tpu.memory_space<vmem_shared>>
      tpu.enqueue_dma source(%arg11 : memref<128x64xf32, #tpu.memory_space<vmem>>) target(%dma_start3A_53 : memref<128x64xf32, #tpu.memory_space<vmem_shared>>) target_semaphore(%run_scoped3A : memref<!tpu.dma_semaphore, #tpu.memory_space<semaphore_mem>>)
      %dma_wait3A = arith.constant 0 : i32
      %dma_wait3A_54 = tpu.memref_slice %arg8[%add3A_12, %dma_wait3A] : memref<10240x64xf32, #tpu.memory_space<vmem_shared>> -> memref<128x64xf32, #tpu.memory_space<vmem_shared>>
      %dma_wait3A_55 = arith.constant 0 : i32
      %dma_wait3A_56 = tpu.memref_slice %arg8[%add3A_12, %dma_wait3A_55] : memref<10240x64xf32, #tpu.memory_space<vmem_shared>> -> memref<128x64xf32, #tpu.memory_space<vmem_shared>>
      tpu.wait_dma2 semaphore(%run_scoped3A : memref<!tpu.dma_semaphore, #tpu.memory_space<semaphore_mem>>) src(%arg11 : memref<128x64xf32, #tpu.memory_space<vmem>>) dst(%dma_wait3A_56 : memref<128x64xf32, #tpu.memory_space<vmem_shared>>)
      tpu.yield
    }) : () -> ()
    %mul3A_13 = arith.constant 640 : i32
    %mul3A_14 = arith.muli %arg1, %mul3A_13 : i32
    %add3A_15 = arith.constant 384 : i32
    %add3A_16 = arith.addi %mul3A_14, %add3A_15 : i32
    "tpu.region"() ({
      %run_scoped3A = tpu.sem_alloc : memref<!tpu.dma_semaphore, #tpu.memory_space<semaphore_mem>>
      %dma_start3A = arith.constant 0 : i32
      %dma_start3A_51 = tpu.memref_slice %arg8[%add3A_16, %dma_start3A] : memref<10240x64xf32, #tpu.memory_space<vmem_shared>> -> memref<128x64xf32, #tpu.memory_space<vmem_shared>>
      %dma_start3A_52 = arith.constant 0 : i32
      %dma_start3A_53 = tpu.memref_slice %arg8[%add3A_16, %dma_start3A_52] : memref<10240x64xf32, #tpu.memory_space<vmem_shared>> -> memref<128x64xf32, #tpu.memory_space<vmem_shared>>
      tpu.enqueue_dma source(%arg11 : memref<128x64xf32, #tpu.memory_space<vmem>>) target(%dma_start3A_53 : memref<128x64xf32, #tpu.memory_space<vmem_shared>>) target_semaphore(%run_scoped3A : memref<!tpu.dma_semaphore, #tpu.memory_space<semaphore_mem>>)
      %dma_wait3A = arith.constant 0 : i32
      %dma_wait3A_54 = tpu.memref_slice %arg8[%add3A_16, %dma_wait3A] : memref<10240x64xf32, #tpu.memory_space<vmem_shared>> -> memref<128x64xf32, #tpu.memory_space<vmem_shared>>
      %dma_wait3A_55 = arith.constant 0 : i32
      %dma_wait3A_56 = tpu.memref_slice %arg8[%add3A_16, %dma_wait3A_55] : memref<10240x64xf32, #tpu.memory_space<vmem_shared>> -> memref<128x64xf32, #tpu.memory_space<vmem_shared>>
      tpu.wait_dma2 semaphore(%run_scoped3A : memref<!tpu.dma_semaphore, #tpu.memory_space<semaphore_mem>>) src(%arg11 : memref<128x64xf32, #tpu.memory_space<vmem>>) dst(%dma_wait3A_56 : memref<128x64xf32, #tpu.memory_space<vmem_shared>>)
      tpu.yield
    }) : () -> ()
    %mul3A_17 = arith.constant 640 : i32
    %mul3A_18 = arith.muli %arg1, %mul3A_17 : i32
    %add3A_19 = arith.constant 512 : i32
    %add3A_20 = arith.addi %mul3A_18, %add3A_19 : i32
    "tpu.region"() ({
      %run_scoped3A = tpu.sem_alloc : memref<!tpu.dma_semaphore, #tpu.memory_space<semaphore_mem>>
      %dma_start3A = arith.constant 0 : i32
      %dma_start3A_51 = tpu.memref_slice %arg8[%add3A_20, %dma_start3A] : memref<10240x64xf32, #tpu.memory_space<vmem_shared>> -> memref<128x64xf32, #tpu.memory_space<vmem_shared>>
      %dma_start3A_52 = arith.constant 0 : i32
      %dma_start3A_53 = tpu.memref_slice %arg8[%add3A_20, %dma_start3A_52] : memref<10240x64xf32, #tpu.memory_space<vmem_shared>> -> memref<128x64xf32, #tpu.memory_space<vmem_shared>>
      tpu.enqueue_dma source(%arg11 : memref<128x64xf32, #tpu.memory_space<vmem>>) target(%dma_start3A_53 : memref<128x64xf32, #tpu.memory_space<vmem_shared>>) target_semaphore(%run_scoped3A : memref<!tpu.dma_semaphore, #tpu.memory_space<semaphore_mem>>)
      %dma_wait3A = arith.constant 0 : i32
      %dma_wait3A_54 = tpu.memref_slice %arg8[%add3A_20, %dma_wait3A] : memref<10240x64xf32, #tpu.memory_space<vmem_shared>> -> memref<128x64xf32, #tpu.memory_space<vmem_shared>>
      %dma_wait3A_55 = arith.constant 0 : i32
      %dma_wait3A_56 = tpu.memref_slice %arg8[%add3A_20, %dma_wait3A_55] : memref<10240x64xf32, #tpu.memory_space<vmem_shared>> -> memref<128x64xf32, #tpu.memory_space<vmem_shared>>
      tpu.wait_dma2 semaphore(%run_scoped3A : memref<!tpu.dma_semaphore, #tpu.memory_space<semaphore_mem>>) src(%arg11 : memref<128x64xf32, #tpu.memory_space<vmem>>) dst(%dma_wait3A_56 : memref<128x64xf32, #tpu.memory_space<vmem_shared>>)
      tpu.yield
    }) : () -> ()
    %barrier3A = arith.constant 0 : index
    tpu.barrier barrier_id(%barrier3A)
    %mul3A_21 = arith.constant 80 : i32
    %mul3A_22 = arith.muli %add3A, %mul3A_21 : i32
    "tpu.region"() ({
      %run_scoped3A = tpu.sem_alloc : memref<!tpu.dma_semaphore, #tpu.memory_space<semaphore_mem>>
      %dma_start3A = arith.constant 0 : i32
      %dma_start3A_51 = tpu.memref_slice %arg3[%mul3A_22, %dma_start3A] : memref<2560x128xi32, #tpu.memory_space<hbm>> -> memref<80x128xi32, #tpu.memory_space<hbm>>
      %dma_start3A_52 = arith.constant 0 : i32
      %dma_start3A_53 = tpu.memref_slice %arg3[%mul3A_22, %dma_start3A_52] : memref<2560x128xi32, #tpu.memory_space<hbm>> -> memref<80x128xi32, #tpu.memory_space<hbm>>
      tpu.enqueue_dma source(%dma_start3A_53 : memref<80x128xi32, #tpu.memory_space<hbm>>) target(%arg10 : memref<80x128xi32, #tpu.memory_space<vmem>>) target_semaphore(%run_scoped3A : memref<!tpu.dma_semaphore, #tpu.memory_space<semaphore_mem>>)
      %dma_wait3A = arith.constant 0 : i32
      %dma_wait3A_54 = tpu.memref_slice %arg3[%mul3A_22, %dma_wait3A] : memref<2560x128xi32, #tpu.memory_space<hbm>> -> memref<80x128xi32, #tpu.memory_space<hbm>>
      %dma_wait3A_55 = arith.constant 0 : i32
      %dma_wait3A_56 = tpu.memref_slice %arg3[%mul3A_22, %dma_wait3A_55] : memref<2560x128xi32, #tpu.memory_space<hbm>> -> memref<80x128xi32, #tpu.memory_space<hbm>>
      tpu.wait_dma2 semaphore(%run_scoped3A : memref<!tpu.dma_semaphore, #tpu.memory_space<semaphore_mem>>) src(%dma_wait3A_56 : memref<80x128xi32, #tpu.memory_space<hbm>>) dst(%arg10 : memref<80x128xi32, #tpu.memory_space<vmem>>)
      tpu.yield
    }) : () -> ()
    %mul3A_23 = arith.constant 80 : i32
    %mul3A_24 = arith.muli %add3A, %mul3A_23 : i32
    "tpu.region"() ({
      %run_scoped3A = tpu.sem_alloc : memref<!tpu.dma_semaphore, #tpu.memory_space<semaphore_mem>>
      %dma_start3A = arith.constant 0 : i32
      %dma_start3A_51 = tpu.memref_slice %arg2[%mul3A_24, %dma_start3A] : memref<2560x128xi32, #tpu.memory_space<hbm>> -> memref<80x128xi32, #tpu.memory_space<hbm>>
      %dma_start3A_52 = arith.constant 0 : i32
      %dma_start3A_53 = tpu.memref_slice %arg2[%mul3A_24, %dma_start3A_52] : memref<2560x128xi32, #tpu.memory_space<hbm>> -> memref<80x128xi32, #tpu.memory_space<hbm>>
      tpu.enqueue_dma source(%dma_start3A_53 : memref<80x128xi32, #tpu.memory_space<hbm>>) target(%arg9 : memref<80x128xi32, #tpu.memory_space<vmem>>) target_semaphore(%run_scoped3A : memref<!tpu.dma_semaphore, #tpu.memory_space<semaphore_mem>>)
      %dma_wait3A = arith.constant 0 : i32
      %dma_wait3A_54 = tpu.memref_slice %arg2[%mul3A_24, %dma_wait3A] : memref<2560x128xi32, #tpu.memory_space<hbm>> -> memref<80x128xi32, #tpu.memory_space<hbm>>
      %dma_wait3A_55 = arith.constant 0 : i32
      %dma_wait3A_56 = tpu.memref_slice %arg2[%mul3A_24, %dma_wait3A_55] : memref<2560x128xi32, #tpu.memory_space<hbm>> -> memref<80x128xi32, #tpu.memory_space<hbm>>
      tpu.wait_dma2 semaphore(%run_scoped3A : memref<!tpu.dma_semaphore, #tpu.memory_space<semaphore_mem>>) src(%dma_wait3A_56 : memref<80x128xi32, #tpu.memory_space<hbm>>) dst(%arg9 : memref<80x128xi32, #tpu.memory_space<vmem>>)
      tpu.yield
    }) : () -> ()
    %scan3A = arith.constant 0 : i32
    %scan3A_25 = arith.constant 0 : i32
    %scan3A_26 = arith.constant 80 : i32
    %scan3A_27 = arith.addi %scan3A_25, %scan3A_26 : i32
    %scan3A_28 = arith.constant 1 : i32
    scf.for %scan3A_51 = %scan3A_25 to %scan3A_27 step %scan3A_28  : i32 {
      %dma_start3A = arith.constant 0 : i32
      %dma_start3A_52 = tpu.memref_slice %arg9[%scan3A_51, %dma_start3A] : memref<80x128xi32, #tpu.memory_space<vmem>> -> memref<1x128xi32, #tpu.memory_space<vmem>>
      %dma_start3A_53 = tpu.memref_squeeze %dma_start3A_52 : memref<1x128xi32, #tpu.memory_space<vmem>> -> memref<128xi32, #tpu.memory_space<vmem>>
      %dma_start3A_54 = arith.constant 0 : i32
      %dma_start3A_55 = arith.constant 0 : i32
      %dma_start3A_56 = tpu.memref_slice %arg4[%dma_start3A_54, %dma_start3A_55] : memref<10000x64xf32, #tpu.memory_space<hbm>> -> memref<10000x64xf32, #tpu.memory_space<hbm>>
      tpu.enqueue_indirect_dma source(%dma_start3A_56 : memref<10000x64xf32, #tpu.memory_space<hbm>>) target(%arg11 : memref<128x64xf32, #tpu.memory_space<vmem>>) offsets(%dma_start3A_53 : memref<128xi32, #tpu.memory_space<vmem>>) semaphore(%arg12 : memref<!tpu.dma_semaphore, #tpu.memory_space<semaphore_mem>>)
      %dma_wait3A = arith.constant 0 : i32
      %dma_wait3A_57 = tpu.memref_slice %arg9[%scan3A_51, %dma_wait3A] : memref<80x128xi32, #tpu.memory_space<vmem>> -> memref<1x128xi32, #tpu.memory_space<vmem>>
      %dma_wait3A_58 = tpu.memref_squeeze %dma_wait3A_57 : memref<1x128xi32, #tpu.memory_space<vmem>> -> memref<128xi32, #tpu.memory_space<vmem>>
      %dma_wait3A_59 = arith.constant 0 : i32
      %dma_wait3A_60 = arith.constant 0 : i32
      %dma_wait3A_61 = tpu.memref_slice %arg4[%dma_wait3A_59, %dma_wait3A_60] : memref<10000x64xf32, #tpu.memory_space<hbm>> -> memref<10000x64xf32, #tpu.memory_space<hbm>>
      tpu.wait_indirect_dma semaphore(%arg12 : memref<!tpu.dma_semaphore, #tpu.memory_space<semaphore_mem>>) src(%dma_wait3A_61 : memref<10000x64xf32, #tpu.memory_space<hbm>>) dst(%arg11 : memref<128x64xf32, #tpu.memory_space<vmem>>)
      "tpu.region"() ({
        %run_scoped3A = tpu.sem_alloc : memref<!tpu.dma_semaphore, #tpu.memory_space<semaphore_mem>>
        %dma_start3A_62 = arith.constant 0 : i32
        %dma_start3A_63 = tpu.memref_slice %arg10[%scan3A_51, %dma_start3A_62] : memref<80x128xi32, #tpu.memory_space<vmem>> -> memref<1x128xi32, #tpu.memory_space<vmem>>
        %dma_start3A_64 = tpu.memref_squeeze %dma_start3A_63 : memref<1x128xi32, #tpu.memory_space<vmem>> -> memref<128xi32, #tpu.memory_space<vmem>>
        %dma_start3A_65 = arith.constant 0 : i32
        %dma_start3A_66 = arith.constant 0 : i32
        %dma_start3A_67 = tpu.memref_slice %arg8[%dma_start3A_65, %dma_start3A_66] : memref<10240x64xf32, #tpu.memory_space<vmem_shared>> -> memref<10240x64xf32, #tpu.memory_space<vmem_shared>>
        tpu.enqueue_indirect_dma source(%arg11 : memref<128x64xf32, #tpu.memory_space<vmem>>) target(%dma_start3A_67 : memref<10240x64xf32, #tpu.memory_space<vmem_shared>>) offsets(%dma_start3A_64 : memref<128xi32, #tpu.memory_space<vmem>>) semaphore(%run_scoped3A : memref<!tpu.dma_semaphore, #tpu.memory_space<semaphore_mem>>) {add = true}
        %dma_wait3A_68 = arith.constant 0 : i32
        %dma_wait3A_69 = tpu.memref_slice %arg10[%scan3A_51, %dma_wait3A_68] : memref<80x128xi32, #tpu.memory_space<vmem>> -> memref<1x128xi32, #tpu.memory_space<vmem>>
        %dma_wait3A_70 = tpu.memref_squeeze %dma_wait3A_69 : memref<1x128xi32, #tpu.memory_space<vmem>> -> memref<128xi32, #tpu.memory_space<vmem>>
        %dma_wait3A_71 = arith.constant 0 : i32
        %dma_wait3A_72 = arith.constant 0 : i32
        %dma_wait3A_73 = tpu.memref_slice %arg8[%dma_wait3A_71, %dma_wait3A_72] : memref<10240x64xf32, #tpu.memory_space<vmem_shared>> -> memref<10240x64xf32, #tpu.memory_space<vmem_shared>>
        tpu.wait_indirect_dma semaphore(%run_scoped3A : memref<!tpu.dma_semaphore, #tpu.memory_space<semaphore_mem>>) src(%arg11 : memref<128x64xf32, #tpu.memory_space<vmem>>) dst(%dma_wait3A_73 : memref<10240x64xf32, #tpu.memory_space<vmem_shared>>)
        tpu.yield
      }) : () -> ()
    }
    %scan3A_29 = arith.constant 80 : i32
    %barrier3A_30 = arith.constant 0 : index
    tpu.barrier barrier_id(%barrier3A_30)
    %mul3A_31 = arith.constant 640 : i32
    %mul3A_32 = arith.muli %arg1, %mul3A_31 : i32
    %add3A_33 = arith.constant 0 : i32
    %add3A_34 = arith.addi %mul3A_32, %add3A_33 : i32
    "tpu.region"() ({
      %run_scoped3A = tpu.sem_alloc : memref<!tpu.dma_semaphore, #tpu.memory_space<semaphore_mem>>
      %dma_start3A = arith.constant 0 : i32
      %dma_start3A_51 = tpu.memref_slice %arg8[%add3A_34, %dma_start3A] : memref<10240x64xf32, #tpu.memory_space<vmem_shared>> -> memref<128x64xf32, #tpu.memory_space<vmem_shared>>
      %dma_start3A_52 = arith.constant 0 : i32
      %dma_start3A_53 = tpu.memref_slice %arg8[%add3A_34, %dma_start3A_52] : memref<10240x64xf32, #tpu.memory_space<vmem_shared>> -> memref<128x64xf32, #tpu.memory_space<vmem_shared>>
      tpu.enqueue_dma source(%dma_start3A_53 : memref<128x64xf32, #tpu.memory_space<vmem_shared>>) target(%arg11 : memref<128x64xf32, #tpu.memory_space<vmem>>) target_semaphore(%run_scoped3A : memref<!tpu.dma_semaphore, #tpu.memory_space<semaphore_mem>>)
      %dma_wait3A = arith.constant 0 : i32
      %dma_wait3A_54 = tpu.memref_slice %arg8[%add3A_34, %dma_wait3A] : memref<10240x64xf32, #tpu.memory_space<vmem_shared>> -> memref<128x64xf32, #tpu.memory_space<vmem_shared>>
      %dma_wait3A_55 = arith.constant 0 : i32
      %dma_wait3A_56 = tpu.memref_slice %arg8[%add3A_34, %dma_wait3A_55] : memref<10240x64xf32, #tpu.memory_space<vmem_shared>> -> memref<128x64xf32, #tpu.memory_space<vmem_shared>>
      tpu.wait_dma2 semaphore(%run_scoped3A : memref<!tpu.dma_semaphore, #tpu.memory_space<semaphore_mem>>) src(%dma_wait3A_56 : memref<128x64xf32, #tpu.memory_space<vmem_shared>>) dst(%arg11 : memref<128x64xf32, #tpu.memory_space<vmem>>)
      tpu.yield
    }) : () -> ()
    "tpu.region"() ({
      %run_scoped3A = tpu.sem_alloc : memref<!tpu.dma_semaphore, #tpu.memory_space<semaphore_mem>>
      %dma_start3A = arith.constant 0 : i32
      %dma_start3A_51 = tpu.memref_slice %arg7[%arg0, %add3A_34, %dma_start3A] : memref<2x10240x64xf32, #tpu.memory_space<hbm>> -> memref<1x128x64xf32, #tpu.memory_space<hbm>>
      %dma_start3A_52 = tpu.memref_squeeze %dma_start3A_51 : memref<1x128x64xf32, #tpu.memory_space<hbm>> -> memref<128x64xf32, #tpu.memory_space<hbm>>
      %dma_start3A_53 = arith.constant 0 : i32
      %dma_start3A_54 = tpu.memref_slice %arg7[%arg0, %add3A_34, %dma_start3A_53] : memref<2x10240x64xf32, #tpu.memory_space<hbm>> -> memref<1x128x64xf32, #tpu.memory_space<hbm>>
      %dma_start3A_55 = tpu.memref_squeeze %dma_start3A_54 : memref<1x128x64xf32, #tpu.memory_space<hbm>> -> memref<128x64xf32, #tpu.memory_space<hbm>>
      tpu.enqueue_dma source(%arg11 : memref<128x64xf32, #tpu.memory_space<vmem>>) target(%dma_start3A_55 : memref<128x64xf32, #tpu.memory_space<hbm>>) target_semaphore(%run_scoped3A : memref<!tpu.dma_semaphore, #tpu.memory_space<semaphore_mem>>)
      %dma_wait3A = arith.constant 0 : i32
      %dma_wait3A_56 = tpu.memref_slice %arg7[%arg0, %add3A_34, %dma_wait3A] : memref<2x10240x64xf32, #tpu.memory_space<hbm>> -> memref<1x128x64xf32, #tpu.memory_space<hbm>>
      %dma_wait3A_57 = tpu.memref_squeeze %dma_wait3A_56 : memref<1x128x64xf32, #tpu.memory_space<hbm>> -> memref<128x64xf32, #tpu.memory_space<hbm>>
      %dma_wait3A_58 = arith.constant 0 : i32
      %dma_wait3A_59 = tpu.memref_slice %arg7[%arg0, %add3A_34, %dma_wait3A_58] : memref<2x10240x64xf32, #tpu.memory_space<hbm>> -> memref<1x128x64xf32, #tpu.memory_space<hbm>>
      %dma_wait3A_60 = tpu.memref_squeeze %dma_wait3A_59 : memref<1x128x64xf32, #tpu.memory_space<hbm>> -> memref<128x64xf32, #tpu.memory_space<hbm>>
      tpu.wait_dma2 semaphore(%run_scoped3A : memref<!tpu.dma_semaphore, #tpu.memory_space<semaphore_mem>>) src(%arg11 : memref<128x64xf32, #tpu.memory_space<vmem>>) dst(%dma_wait3A_60 : memref<128x64xf32, #tpu.memory_space<hbm>>)
      tpu.yield
    }) : () -> ()
    %mul3A_35 = arith.constant 640 : i32
    %mul3A_36 = arith.muli %arg1, %mul3A_35 : i32
    %add3A_37 = arith.constant 128 : i32
    %add3A_38 = arith.addi %mul3A_36, %add3A_37 : i32
    "tpu.region"() ({
      %run_scoped3A = tpu.sem_alloc : memref<!tpu.dma_semaphore, #tpu.memory_space<semaphore_mem>>
      %dma_start3A = arith.constant 0 : i32
      %dma_start3A_51 = tpu.memref_slice %arg8[%add3A_38, %dma_start3A] : memref<10240x64xf32, #tpu.memory_space<vmem_shared>> -> memref<128x64xf32, #tpu.memory_space<vmem_shared>>
      %dma_start3A_52 = arith.constant 0 : i32
      %dma_start3A_53 = tpu.memref_slice %arg8[%add3A_38, %dma_start3A_52] : memref<10240x64xf32, #tpu.memory_space<vmem_shared>> -> memref<128x64xf32, #tpu.memory_space<vmem_shared>>
      tpu.enqueue_dma source(%dma_start3A_53 : memref<128x64xf32, #tpu.memory_space<vmem_shared>>) target(%arg11 : memref<128x64xf32, #tpu.memory_space<vmem>>) target_semaphore(%run_scoped3A : memref<!tpu.dma_semaphore, #tpu.memory_space<semaphore_mem>>)
      %dma_wait3A = arith.constant 0 : i32
      %dma_wait3A_54 = tpu.memref_slice %arg8[%add3A_38, %dma_wait3A] : memref<10240x64xf32, #tpu.memory_space<vmem_shared>> -> memref<128x64xf32, #tpu.memory_space<vmem_shared>>
      %dma_wait3A_55 = arith.constant 0 : i32
      %dma_wait3A_56 = tpu.memref_slice %arg8[%add3A_38, %dma_wait3A_55] : memref<10240x64xf32, #tpu.memory_space<vmem_shared>> -> memref<128x64xf32, #tpu.memory_space<vmem_shared>>
      tpu.wait_dma2 semaphore(%run_scoped3A : memref<!tpu.dma_semaphore, #tpu.memory_space<semaphore_mem>>) src(%dma_wait3A_56 : memref<128x64xf32, #tpu.memory_space<vmem_shared>>) dst(%arg11 : memref<128x64xf32, #tpu.memory_space<vmem>>)
      tpu.yield
    }) : () -> ()
    "tpu.region"() ({
      %run_scoped3A = tpu.sem_alloc : memref<!tpu.dma_semaphore, #tpu.memory_space<semaphore_mem>>
      %dma_start3A = arith.constant 0 : i32
      %dma_start3A_51 = tpu.memref_slice %arg7[%arg0, %add3A_38, %dma_start3A] : memref<2x10240x64xf32, #tpu.memory_space<hbm>> -> memref<1x128x64xf32, #tpu.memory_space<hbm>>
      %dma_start3A_52 = tpu.memref_squeeze %dma_start3A_51 : memref<1x128x64xf32, #tpu.memory_space<hbm>> -> memref<128x64xf32, #tpu.memory_space<hbm>>
      %dma_start3A_53 = arith.constant 0 : i32
      %dma_start3A_54 = tpu.memref_slice %arg7[%arg0, %add3A_38, %dma_start3A_53] : memref<2x10240x64xf32, #tpu.memory_space<hbm>> -> memref<1x128x64xf32, #tpu.memory_space<hbm>>
      %dma_start3A_55 = tpu.memref_squeeze %dma_start3A_54 : memref<1x128x64xf32, #tpu.memory_space<hbm>> -> memref<128x64xf32, #tpu.memory_space<hbm>>
      tpu.enqueue_dma source(%arg11 : memref<128x64xf32, #tpu.memory_space<vmem>>) target(%dma_start3A_55 : memref<128x64xf32, #tpu.memory_space<hbm>>) target_semaphore(%run_scoped3A : memref<!tpu.dma_semaphore, #tpu.memory_space<semaphore_mem>>)
      %dma_wait3A = arith.constant 0 : i32
      %dma_wait3A_56 = tpu.memref_slice %arg7[%arg0, %add3A_38, %dma_wait3A] : memref<2x10240x64xf32, #tpu.memory_space<hbm>> -> memref<1x128x64xf32, #tpu.memory_space<hbm>>
      %dma_wait3A_57 = tpu.memref_squeeze %dma_wait3A_56 : memref<1x128x64xf32, #tpu.memory_space<hbm>> -> memref<128x64xf32, #tpu.memory_space<hbm>>
      %dma_wait3A_58 = arith.constant 0 : i32
      %dma_wait3A_59 = tpu.memref_slice %arg7[%arg0, %add3A_38, %dma_wait3A_58] : memref<2x10240x64xf32, #tpu.memory_space<hbm>> -> memref<1x128x64xf32, #tpu.memory_space<hbm>>
      %dma_wait3A_60 = tpu.memref_squeeze %dma_wait3A_59 : memref<1x128x64xf32, #tpu.memory_space<hbm>> -> memref<128x64xf32, #tpu.memory_space<hbm>>
      tpu.wait_dma2 semaphore(%run_scoped3A : memref<!tpu.dma_semaphore, #tpu.memory_space<semaphore_mem>>) src(%arg11 : memref<128x64xf32, #tpu.memory_space<vmem>>) dst(%dma_wait3A_60 : memref<128x64xf32, #tpu.memory_space<hbm>>)
      tpu.yield
    }) : () -> ()
    %mul3A_39 = arith.constant 640 : i32
    %mul3A_40 = arith.muli %arg1, %mul3A_39 : i32
    %add3A_41 = arith.constant 256 : i32
    %add3A_42 = arith.addi %mul3A_40, %add3A_41 : i32
    "tpu.region"() ({
      %run_scoped3A = tpu.sem_alloc : memref<!tpu.dma_semaphore, #tpu.memory_space<semaphore_mem>>
      %dma_start3A = arith.constant 0 : i32
      %dma_start3A_51 = tpu.memref_slice %arg8[%add3A_42, %dma_start3A] : memref<10240x64xf32, #tpu.memory_space<vmem_shared>> -> memref<128x64xf32, #tpu.memory_space<vmem_shared>>
      %dma_start3A_52 = arith.constant 0 : i32
      %dma_start3A_53 = tpu.memref_slice %arg8[%add3A_42, %dma_start3A_52] : memref<10240x64xf32, #tpu.memory_space<vmem_shared>> -> memref<128x64xf32, #tpu.memory_space<vmem_shared>>
      tpu.enqueue_dma source(%dma_start3A_53 : memref<128x64xf32, #tpu.memory_space<vmem_shared>>) target(%arg11 : memref<128x64xf32, #tpu.memory_space<vmem>>) target_semaphore(%run_scoped3A : memref<!tpu.dma_semaphore, #tpu.memory_space<semaphore_mem>>)
      %dma_wait3A = arith.constant 0 : i32
      %dma_wait3A_54 = tpu.memref_slice %arg8[%add3A_42, %dma_wait3A] : memref<10240x64xf32, #tpu.memory_space<vmem_shared>> -> memref<128x64xf32, #tpu.memory_space<vmem_shared>>
      %dma_wait3A_55 = arith.constant 0 : i32
      %dma_wait3A_56 = tpu.memref_slice %arg8[%add3A_42, %dma_wait3A_55] : memref<10240x64xf32, #tpu.memory_space<vmem_shared>> -> memref<128x64xf32, #tpu.memory_space<vmem_shared>>
      tpu.wait_dma2 semaphore(%run_scoped3A : memref<!tpu.dma_semaphore, #tpu.memory_space<semaphore_mem>>) src(%dma_wait3A_56 : memref<128x64xf32, #tpu.memory_space<vmem_shared>>) dst(%arg11 : memref<128x64xf32, #tpu.memory_space<vmem>>)
      tpu.yield
    }) : () -> ()
    "tpu.region"() ({
      %run_scoped3A = tpu.sem_alloc : memref<!tpu.dma_semaphore, #tpu.memory_space<semaphore_mem>>
      %dma_start3A = arith.constant 0 : i32
      %dma_start3A_51 = tpu.memref_slice %arg7[%arg0, %add3A_42, %dma_start3A] : memref<2x10240x64xf32, #tpu.memory_space<hbm>> -> memref<1x128x64xf32, #tpu.memory_space<hbm>>
      %dma_start3A_52 = tpu.memref_squeeze %dma_start3A_51 : memref<1x128x64xf32, #tpu.memory_space<hbm>> -> memref<128x64xf32, #tpu.memory_space<hbm>>
      %dma_start3A_53 = arith.constant 0 : i32
      %dma_start3A_54 = tpu.memref_slice %arg7[%arg0, %add3A_42, %dma_start3A_53] : memref<2x10240x64xf32, #tpu.memory_space<hbm>> -> memref<1x128x64xf32, #tpu.memory_space<hbm>>
      %dma_start3A_55 = tpu.memref_squeeze %dma_start3A_54 : memref<1x128x64xf32, #tpu.memory_space<hbm>> -> memref<128x64xf32, #tpu.memory_space<hbm>>
      tpu.enqueue_dma source(%arg11 : memref<128x64xf32, #tpu.memory_space<vmem>>) target(%dma_start3A_55 : memref<128x64xf32, #tpu.memory_space<hbm>>) target_semaphore(%run_scoped3A : memref<!tpu.dma_semaphore, #tpu.memory_space<semaphore_mem>>)
      %dma_wait3A = arith.constant 0 : i32
      %dma_wait3A_56 = tpu.memref_slice %arg7[%arg0, %add3A_42, %dma_wait3A] : memref<2x10240x64xf32, #tpu.memory_space<hbm>> -> memref<1x128x64xf32, #tpu.memory_space<hbm>>
      %dma_wait3A_57 = tpu.memref_squeeze %dma_wait3A_56 : memref<1x128x64xf32, #tpu.memory_space<hbm>> -> memref<128x64xf32, #tpu.memory_space<hbm>>
      %dma_wait3A_58 = arith.constant 0 : i32
      %dma_wait3A_59 = tpu.memref_slice %arg7[%arg0, %add3A_42, %dma_wait3A_58] : memref<2x10240x64xf32, #tpu.memory_space<hbm>> -> memref<1x128x64xf32, #tpu.memory_space<hbm>>
      %dma_wait3A_60 = tpu.memref_squeeze %dma_wait3A_59 : memref<1x128x64xf32, #tpu.memory_space<hbm>> -> memref<128x64xf32, #tpu.memory_space<hbm>>
      tpu.wait_dma2 semaphore(%run_scoped3A : memref<!tpu.dma_semaphore, #tpu.memory_space<semaphore_mem>>) src(%arg11 : memref<128x64xf32, #tpu.memory_space<vmem>>) dst(%dma_wait3A_60 : memref<128x64xf32, #tpu.memory_space<hbm>>)
      tpu.yield
    }) : () -> ()
    %mul3A_43 = arith.constant 640 : i32
    %mul3A_44 = arith.muli %arg1, %mul3A_43 : i32
    %add3A_45 = arith.constant 384 : i32
    %add3A_46 = arith.addi %mul3A_44, %add3A_45 : i32
    "tpu.region"() ({
      %run_scoped3A = tpu.sem_alloc : memref<!tpu.dma_semaphore, #tpu.memory_space<semaphore_mem>>
      %dma_start3A = arith.constant 0 : i32
      %dma_start3A_51 = tpu.memref_slice %arg8[%add3A_46, %dma_start3A] : memref<10240x64xf32, #tpu.memory_space<vmem_shared>> -> memref<128x64xf32, #tpu.memory_space<vmem_shared>>
      %dma_start3A_52 = arith.constant 0 : i32
      %dma_start3A_53 = tpu.memref_slice %arg8[%add3A_46, %dma_start3A_52] : memref<10240x64xf32, #tpu.memory_space<vmem_shared>> -> memref<128x64xf32, #tpu.memory_space<vmem_shared>>
      tpu.enqueue_dma source(%dma_start3A_53 : memref<128x64xf32, #tpu.memory_space<vmem_shared>>) target(%arg11 : memref<128x64xf32, #tpu.memory_space<vmem>>) target_semaphore(%run_scoped3A : memref<!tpu.dma_semaphore, #tpu.memory_space<semaphore_mem>>)
      %dma_wait3A = arith.constant 0 : i32
      %dma_wait3A_54 = tpu.memref_slice %arg8[%add3A_46, %dma_wait3A] : memref<10240x64xf32, #tpu.memory_space<vmem_shared>> -> memref<128x64xf32, #tpu.memory_space<vmem_shared>>
      %dma_wait3A_55 = arith.constant 0 : i32
      %dma_wait3A_56 = tpu.memref_slice %arg8[%add3A_46, %dma_wait3A_55] : memref<10240x64xf32, #tpu.memory_space<vmem_shared>> -> memref<128x64xf32, #tpu.memory_space<vmem_shared>>
      tpu.wait_dma2 semaphore(%run_scoped3A : memref<!tpu.dma_semaphore, #tpu.memory_space<semaphore_mem>>) src(%dma_wait3A_56 : memref<128x64xf32, #tpu.memory_space<vmem_shared>>) dst(%arg11 : memref<128x64xf32, #tpu.memory_space<vmem>>)
      tpu.yield
    }) : () -> ()
    "tpu.region"() ({
      %run_scoped3A = tpu.sem_alloc : memref<!tpu.dma_semaphore, #tpu.memory_space<semaphore_mem>>
      %dma_start3A = arith.constant 0 : i32
      %dma_start3A_51 = tpu.memref_slice %arg7[%arg0, %add3A_46, %dma_start3A] : memref<2x10240x64xf32, #tpu.memory_space<hbm>> -> memref<1x128x64xf32, #tpu.memory_space<hbm>>
      %dma_start3A_52 = tpu.memref_squeeze %dma_start3A_51 : memref<1x128x64xf32, #tpu.memory_space<hbm>> -> memref<128x64xf32, #tpu.memory_space<hbm>>
      %dma_start3A_53 = arith.constant 0 : i32
      %dma_start3A_54 = tpu.memref_slice %arg7[%arg0, %add3A_46, %dma_start3A_53] : memref<2x10240x64xf32, #tpu.memory_space<hbm>> -> memref<1x128x64xf32, #tpu.memory_space<hbm>>
      %dma_start3A_55 = tpu.memref_squeeze %dma_start3A_54 : memref<1x128x64xf32, #tpu.memory_space<hbm>> -> memref<128x64xf32, #tpu.memory_space<hbm>>
      tpu.enqueue_dma source(%arg11 : memref<128x64xf32, #tpu.memory_space<vmem>>) target(%dma_start3A_55 : memref<128x64xf32, #tpu.memory_space<hbm>>) target_semaphore(%run_scoped3A : memref<!tpu.dma_semaphore, #tpu.memory_space<semaphore_mem>>)
      %dma_wait3A = arith.constant 0 : i32
      %dma_wait3A_56 = tpu.memref_slice %arg7[%arg0, %add3A_46, %dma_wait3A] : memref<2x10240x64xf32, #tpu.memory_space<hbm>> -> memref<1x128x64xf32, #tpu.memory_space<hbm>>
      %dma_wait3A_57 = tpu.memref_squeeze %dma_wait3A_56 : memref<1x128x64xf32, #tpu.memory_space<hbm>> -> memref<128x64xf32, #tpu.memory_space<hbm>>
      %dma_wait3A_58 = arith.constant 0 : i32
      %dma_wait3A_59 = tpu.memref_slice %arg7[%arg0, %add3A_46, %dma_wait3A_58] : memref<2x10240x64xf32, #tpu.memory_space<hbm>> -> memref<1x128x64xf32, #tpu.memory_space<hbm>>
      %dma_wait3A_60 = tpu.memref_squeeze %dma_wait3A_59 : memref<1x128x64xf32, #tpu.memory_space<hbm>> -> memref<128x64xf32, #tpu.memory_space<hbm>>
      tpu.wait_dma2 semaphore(%run_scoped3A : memref<!tpu.dma_semaphore, #tpu.memory_space<semaphore_mem>>) src(%arg11 : memref<128x64xf32, #tpu.memory_space<vmem>>) dst(%dma_wait3A_60 : memref<128x64xf32, #tpu.memory_space<hbm>>)
      tpu.yield
    }) : () -> ()
    %mul3A_47 = arith.constant 640 : i32
    %mul3A_48 = arith.muli %arg1, %mul3A_47 : i32
    %add3A_49 = arith.constant 512 : i32
    %add3A_50 = arith.addi %mul3A_48, %add3A_49 : i32
    "tpu.region"() ({
      %run_scoped3A = tpu.sem_alloc : memref<!tpu.dma_semaphore, #tpu.memory_space<semaphore_mem>>
      %dma_start3A = arith.constant 0 : i32
      %dma_start3A_51 = tpu.memref_slice %arg8[%add3A_50, %dma_start3A] : memref<10240x64xf32, #tpu.memory_space<vmem_shared>> -> memref<128x64xf32, #tpu.memory_space<vmem_shared>>
      %dma_start3A_52 = arith.constant 0 : i32
      %dma_start3A_53 = tpu.memref_slice %arg8[%add3A_50, %dma_start3A_52] : memref<10240x64xf32, #tpu.memory_space<vmem_shared>> -> memref<128x64xf32, #tpu.memory_space<vmem_shared>>
      tpu.enqueue_dma source(%dma_start3A_53 : memref<128x64xf32, #tpu.memory_space<vmem_shared>>) target(%arg11 : memref<128x64xf32, #tpu.memory_space<vmem>>) target_semaphore(%run_scoped3A : memref<!tpu.dma_semaphore, #tpu.memory_space<semaphore_mem>>)
      %dma_wait3A = arith.constant 0 : i32
      %dma_wait3A_54 = tpu.memref_slice %arg8[%add3A_50, %dma_wait3A] : memref<10240x64xf32, #tpu.memory_space<vmem_shared>> -> memref<128x64xf32, #tpu.memory_space<vmem_shared>>
      %dma_wait3A_55 = arith.constant 0 : i32
      %dma_wait3A_56 = tpu.memref_slice %arg8[%add3A_50, %dma_wait3A_55] : memref<10240x64xf32, #tpu.memory_space<vmem_shared>> -> memref<128x64xf32, #tpu.memory_space<vmem_shared>>
      tpu.wait_dma2 semaphore(%run_scoped3A : memref<!tpu.dma_semaphore, #tpu.memory_space<semaphore_mem>>) src(%dma_wait3A_56 : memref<128x64xf32, #tpu.memory_space<vmem_shared>>) dst(%arg11 : memref<128x64xf32, #tpu.memory_space<vmem>>)
      tpu.yield
    }) : () -> ()
    "tpu.region"() ({
      %run_scoped3A = tpu.sem_alloc : memref<!tpu.dma_semaphore, #tpu.memory_space<semaphore_mem>>
      %dma_start3A = arith.constant 0 : i32
      %dma_start3A_51 = tpu.memref_slice %arg7[%arg0, %add3A_50, %dma_start3A] : memref<2x10240x64xf32, #tpu.memory_space<hbm>> -> memref<1x128x64xf32, #tpu.memory_space<hbm>>
      %dma_start3A_52 = tpu.memref_squeeze %dma_start3A_51 : memref<1x128x64xf32, #tpu.memory_space<hbm>> -> memref<128x64xf32, #tpu.memory_space<hbm>>
      %dma_start3A_53 = arith.constant 0 : i32
      %dma_start3A_54 = tpu.memref_slice %arg7[%arg0, %add3A_50, %dma_start3A_53] : memref<2x10240x64xf32, #tpu.memory_space<hbm>> -> memref<1x128x64xf32, #tpu.memory_space<hbm>>
      %dma_start3A_55 = tpu.memref_squeeze %dma_start3A_54 : memref<1x128x64xf32, #tpu.memory_space<hbm>> -> memref<128x64xf32, #tpu.memory_space<hbm>>
      tpu.enqueue_dma source(%arg11 : memref<128x64xf32, #tpu.memory_space<vmem>>) target(%dma_start3A_55 : memref<128x64xf32, #tpu.memory_space<hbm>>) target_semaphore(%run_scoped3A : memref<!tpu.dma_semaphore, #tpu.memory_space<semaphore_mem>>)
      %dma_wait3A = arith.constant 0 : i32
      %dma_wait3A_56 = tpu.memref_slice %arg7[%arg0, %add3A_50, %dma_wait3A] : memref<2x10240x64xf32, #tpu.memory_space<hbm>> -> memref<1x128x64xf32, #tpu.memory_space<hbm>>
      %dma_wait3A_57 = tpu.memref_squeeze %dma_wait3A_56 : memref<1x128x64xf32, #tpu.memory_space<hbm>> -> memref<128x64xf32, #tpu.memory_space<hbm>>
      %dma_wait3A_58 = arith.constant 0 : i32
      %dma_wait3A_59 = tpu.memref_slice %arg7[%arg0, %add3A_50, %dma_wait3A_58] : memref<2x10240x64xf32, #tpu.memory_space<hbm>> -> memref<1x128x64xf32, #tpu.memory_space<hbm>>
      %dma_wait3A_60 = tpu.memref_squeeze %dma_wait3A_59 : memref<1x128x64xf32, #tpu.memory_space<hbm>> -> memref<128x64xf32, #tpu.memory_space<hbm>>
      tpu.wait_dma2 semaphore(%run_scoped3A : memref<!tpu.dma_semaphore, #tpu.memory_space<semaphore_mem>>) src(%arg11 : memref<128x64xf32, #tpu.memory_space<vmem>>) dst(%dma_wait3A_60 : memref<128x64xf32, #tpu.memory_space<hbm>>)
      tpu.yield
    }) : () -> ()
    return
  }
}

module attributes {stable_mosaic.version = 14 : i64} {
  func.func @_dense1_body(%arg0: memref<2x10240x16xf32, #tpu.memory_space<vmem>>, %arg1: memref<10000x128xf32, #tpu.memory_space<vmem>>, %arg2: memref<128x64xf32, #tpu.memory_space<vmem>>, %arg3: memref<10000x64xf32, #tpu.memory_space<vmem>>, %arg4: memref<10000x1xf32, #tpu.memory_space<vmem>>) attributes {dimension_semantics = [], scalar_prefetch = 0 : i64, scratch_operands = 0 : i64, tpu.core_type = #tpu.core_type<tc>} {
    %get3A = arith.constant 0 : index
    %get3A_0 = arith.constant 0 : index
    %get3A_1 = arith.constant 0 : index
    %get3A_2 = vector.load %arg0[%get3A, %get3A_0, %get3A_1] : memref<2x10240x16xf32, #tpu.memory_space<vmem>>, vector<1x10240x1xf32>
    %get3A_3 = vector.shape_cast %get3A_2 : vector<1x10240x1xf32> to vector<10240x1xf32>
    %get3A_4 = arith.constant 1 : index
    %get3A_5 = arith.constant 0 : index
    %get3A_6 = arith.constant 0 : index
    %get3A_7 = vector.load %arg0[%get3A_4, %get3A_5, %get3A_6] : memref<2x10240x16xf32, #tpu.memory_space<vmem>>, vector<1x10240x1xf32>
    %get3A_8 = vector.shape_cast %get3A_7 : vector<1x10240x1xf32> to vector<10240x1xf32>
    %add3A = arith.addf %get3A_3, %get3A_8 : vector<10240x1xf32>
    %add3A_9 = arith.constant 1.000000e+00 : f32
    %add3A_10 = vector.broadcast %add3A_9 : f32 to vector<10240x1xf32>
    %add3A_11 = arith.addf %add3A, %add3A_10 : vector<10240x1xf32>
    %rsqrt3A = math.rsqrt %add3A_11 : vector<10240x1xf32>
    %slice3A = vector.extract_strided_slice %rsqrt3A {offsets = [0, 0], sizes = [10000, 1], strides = [1, 1]} : vector<10240x1xf32> to vector<10000x1xf32>
    %get3A_12 = arith.constant 0 : index
    %get3A_13 = arith.constant 0 : index
    %get3A_14 = vector.load %arg1[%get3A_12, %get3A_13] : memref<10000x128xf32, #tpu.memory_space<vmem>>, vector<10000x128xf32>
    %get3A_15 = arith.constant 0 : index
    %get3A_16 = arith.constant 0 : index
    %get3A_17 = vector.load %arg2[%get3A_15, %get3A_16] : memref<128x64xf32, #tpu.memory_space<vmem>>, vector<128x64xf32>
    %dot_general3A = arith.constant dense<0.000000e+00> : vector<10000x64xf32>
    %dot_general3A_18 = tpu.matmul %get3A_14, %get3A_17, %dot_general3A {dimension_numbers = #tpu.dot_dimension_numbers<[1], [0], [0], [1], [0, 0, 1, 1], [], []>, transpose_lhs_hint = false} : vector<10000x128xf32>, vector<128x64xf32>, vector<10000x64xf32> -> vector<10000x64xf32>
    %mul3A = vector.broadcast %slice3A : vector<10000x1xf32> to vector<10000x64xf32>
    %mul3A_19 = arith.mulf %dot_general3A_18, %mul3A : vector<10000x64xf32>
    %swap3A = arith.constant 0 : index
    %swap3A_20 = arith.constant 0 : index
    %swap3A_21 = vector.load %arg3[%swap3A, %swap3A_20] : memref<10000x64xf32, #tpu.memory_space<vmem>>, vector<10000x64xf32>
    tpu.vector_store %arg3[%swap3A, %swap3A_20], %mul3A_19 {strides = array<i32>} : memref<10000x64xf32, #tpu.memory_space<vmem>>, vector<10000x64xf32>,
    %swap3A_22 = arith.constant 0 : index
    %swap3A_23 = arith.constant 0 : index
    %swap3A_24 = vector.load %arg4[%swap3A_22, %swap3A_23] : memref<10000x1xf32, #tpu.memory_space<vmem>>, vector<10000x1xf32>
    tpu.vector_store %arg4[%swap3A_22, %swap3A_23], %slice3A {strides = array<i32>} : memref<10000x1xf32, #tpu.memory_space<vmem>>, vector<10000x1xf32>,
    return
  }
}

module attributes {stable_mosaic.version = 14 : i64} {
  func.func @_dense2_body(%arg0: memref<2x10240x64xf32, #tpu.memory_space<vmem>>, %arg1: memref<10000x1xf32, #tpu.memory_space<vmem>>, %arg2: memref<10000x64xf32, #tpu.memory_space<vmem>>, %arg3: memref<1x64xf32, #tpu.memory_space<vmem>>, %arg4: memref<64x64xf32, #tpu.memory_space<vmem>>, %arg5: memref<10000x64xf32, #tpu.memory_space<vmem>>) attributes {dimension_semantics = [], scalar_prefetch = 0 : i64, scratch_operands = 0 : i64, tpu.core_type = #tpu.core_type<tc>} {
    %get3A = arith.constant 0 : index
    %get3A_0 = arith.constant 0 : index
    %get3A_1 = vector.load %arg1[%get3A, %get3A_0] : memref<10000x1xf32, #tpu.memory_space<vmem>>, vector<10000x1xf32>
    %get3A_2 = arith.constant 0 : index
    %get3A_3 = arith.constant 0 : index
    %get3A_4 = arith.constant 0 : index
    %get3A_5 = vector.load %arg0[%get3A_2, %get3A_3, %get3A_4] : memref<2x10240x64xf32, #tpu.memory_space<vmem>>, vector<1x10000x64xf32>
    %get3A_6 = vector.shape_cast %get3A_5 : vector<1x10000x64xf32> to vector<10000x64xf32>
    %get3A_7 = arith.constant 1 : index
    %get3A_8 = arith.constant 0 : index
    %get3A_9 = arith.constant 0 : index
    %get3A_10 = vector.load %arg0[%get3A_7, %get3A_8, %get3A_9] : memref<2x10240x64xf32, #tpu.memory_space<vmem>>, vector<1x10000x64xf32>
    %get3A_11 = vector.shape_cast %get3A_10 : vector<1x10000x64xf32> to vector<10000x64xf32>
    %add3A = arith.addf %get3A_6, %get3A_11 : vector<10000x64xf32>
    %get3A_12 = arith.constant 0 : index
    %get3A_13 = arith.constant 0 : index
    %get3A_14 = vector.load %arg2[%get3A_12, %get3A_13] : memref<10000x64xf32, #tpu.memory_space<vmem>>, vector<10000x64xf32>
    %add3A_15 = arith.addf %add3A, %get3A_14 : vector<10000x64xf32>
    %mul3A = vector.broadcast %get3A_1 : vector<10000x1xf32> to vector<10000x64xf32>
    %mul3A_16 = arith.mulf %add3A_15, %mul3A : vector<10000x64xf32>
    %get3A_17 = arith.constant 0 : index
    %get3A_18 = arith.constant 0 : index
    %get3A_19 = vector.load %arg3[%get3A_17, %get3A_18] : memref<1x64xf32, #tpu.memory_space<vmem>>, vector<1x64xf32>
    %add3A_20 = vector.broadcast %get3A_19 : vector<1x64xf32> to vector<10000x64xf32>
    %add3A_21 = arith.addf %mul3A_16, %add3A_20 : vector<10000x64xf32>
    %max3A = arith.constant 0.000000e+00 : f32
    %max3A_22 = vector.broadcast %max3A : f32 to vector<10000x64xf32>
    %max3A_23 = arith.maximumf %add3A_21, %max3A_22 : vector<10000x64xf32>
    %get3A_24 = arith.constant 0 : index
    %get3A_25 = arith.constant 0 : index
    %get3A_26 = vector.load %arg4[%get3A_24, %get3A_25] : memref<64x64xf32, #tpu.memory_space<vmem>>, vector<64x64xf32>
    %dot_general3A = arith.constant dense<0.000000e+00> : vector<10000x64xf32>
    %dot_general3A_27 = tpu.matmul %max3A_23, %get3A_26, %dot_general3A {dimension_numbers = #tpu.dot_dimension_numbers<[1], [0], [0], [1], [0, 0, 1, 1], [], []>, transpose_lhs_hint = false} : vector<10000x64xf32>, vector<64x64xf32>, vector<10000x64xf32> -> vector<10000x64xf32>
    %mul3A_28 = vector.broadcast %get3A_1 : vector<10000x1xf32> to vector<10000x64xf32>
    %mul3A_29 = arith.mulf %dot_general3A_27, %mul3A_28 : vector<10000x64xf32>
    %swap3A = arith.constant 0 : index
    %swap3A_30 = arith.constant 0 : index
    %swap3A_31 = vector.load %arg5[%swap3A, %swap3A_30] : memref<10000x64xf32, #tpu.memory_space<vmem>>, vector<10000x64xf32>
    tpu.vector_store %arg5[%swap3A, %swap3A_30], %mul3A_29 {strides = array<i32>} : memref<10000x64xf32, #tpu.memory_space<vmem>>, vector<10000x64xf32>,
    return
  }
}

module attributes {stable_mosaic.version = 14 : i64} {
  func.func @_dense3_body(%arg0: memref<2x10240x64xf32, #tpu.memory_space<vmem>>, %arg1: memref<10000x1xf32, #tpu.memory_space<vmem>>, %arg2: memref<10000x64xf32, #tpu.memory_space<vmem>>, %arg3: memref<1x64xf32, #tpu.memory_space<vmem>>, %arg4: memref<64x1xf32, #tpu.memory_space<vmem>>, %arg5: memref<1x1xf32, #tpu.memory_space<vmem>>, %arg6: memref<10000x1xf32, #tpu.memory_space<vmem>>) attributes {dimension_semantics = [], scalar_prefetch = 0 : i64, scratch_operands = 0 : i64, tpu.core_type = #tpu.core_type<tc>} {
    %get3A = arith.constant 0 : index
    %get3A_0 = arith.constant 0 : index
    %get3A_1 = arith.constant 0 : index
    %get3A_2 = vector.load %arg0[%get3A, %get3A_0, %get3A_1] : memref<2x10240x64xf32, #tpu.memory_space<vmem>>, vector<1x10000x64xf32>
    %get3A_3 = vector.shape_cast %get3A_2 : vector<1x10000x64xf32> to vector<10000x64xf32>
    %get3A_4 = arith.constant 1 : index
    %get3A_5 = arith.constant 0 : index
    %get3A_6 = arith.constant 0 : index
    %get3A_7 = vector.load %arg0[%get3A_4, %get3A_5, %get3A_6] : memref<2x10240x64xf32, #tpu.memory_space<vmem>>, vector<1x10000x64xf32>
    %get3A_8 = vector.shape_cast %get3A_7 : vector<1x10000x64xf32> to vector<10000x64xf32>
    %add3A = arith.addf %get3A_3, %get3A_8 : vector<10000x64xf32>
    %get3A_9 = arith.constant 0 : index
    %get3A_10 = arith.constant 0 : index
    %get3A_11 = vector.load %arg2[%get3A_9, %get3A_10] : memref<10000x64xf32, #tpu.memory_space<vmem>>, vector<10000x64xf32>
    %add3A_12 = arith.addf %add3A, %get3A_11 : vector<10000x64xf32>
    %get3A_13 = arith.constant 0 : index
    %get3A_14 = arith.constant 0 : index
    %get3A_15 = vector.load %arg1[%get3A_13, %get3A_14] : memref<10000x1xf32, #tpu.memory_space<vmem>>, vector<10000x1xf32>
    %mul3A = vector.broadcast %get3A_15 : vector<10000x1xf32> to vector<10000x64xf32>
    %mul3A_16 = arith.mulf %add3A_12, %mul3A : vector<10000x64xf32>
    %get3A_17 = arith.constant 0 : index
    %get3A_18 = arith.constant 0 : index
    %get3A_19 = vector.load %arg3[%get3A_17, %get3A_18] : memref<1x64xf32, #tpu.memory_space<vmem>>, vector<1x64xf32>
    %add3A_20 = vector.broadcast %get3A_19 : vector<1x64xf32> to vector<10000x64xf32>
    %add3A_21 = arith.addf %mul3A_16, %add3A_20 : vector<10000x64xf32>
    %get3A_22 = arith.constant 0 : index
    %get3A_23 = arith.constant 0 : index
    %get3A_24 = vector.load %arg4[%get3A_22, %get3A_23] : memref<64x1xf32, #tpu.memory_space<vmem>>, vector<64x1xf32>
    %dot_general3A = arith.constant dense<0.000000e+00> : vector<10000x1xf32>
    %dot_general3A_25 = tpu.matmul %add3A_21, %get3A_24, %dot_general3A {dimension_numbers = #tpu.dot_dimension_numbers<[1], [0], [0], [1], [0, 0, 1, 1], [], []>, transpose_lhs_hint = false} : vector<10000x64xf32>, vector<64x1xf32>, vector<10000x1xf32> -> vector<10000x1xf32>
    %get3A_26 = arith.constant 0 : index
    %get3A_27 = arith.constant 0 : index
    %get3A_28 = vector.load %arg5[%get3A_26, %get3A_27] : memref<1x1xf32, #tpu.memory_space<vmem>>, vector<1x1xf32>
    %add3A_29 = vector.broadcast %get3A_28 : vector<1x1xf32> to vector<10000x1xf32>
    %add3A_30 = arith.addf %dot_general3A_25, %add3A_29 : vector<10000x1xf32>
    %swap3A = arith.constant 0 : index
    %swap3A_31 = arith.constant 0 : index
    %swap3A_32 = vector.load %arg6[%swap3A, %swap3A_31] : memref<10000x1xf32, #tpu.memory_space<vmem>>, vector<10000x1xf32>
    tpu.vector_store %arg6[%swap3A, %swap3A_31], %add3A_30 {strides = array<i32>} : memref<10000x1xf32, #tpu.memory_space<vmem>>, vector<10000x1xf32>,
    return
  }
}

</mosaic_0001>

<sc_bundles>
// kernel: kernel.11.cloned.1.call-start
scs
__scs_entry_jumppad:
0x0: {  	(pc) =	sbr.rel $0x88, $3  }
0x1: {  	(tag) =	ssettag $0x0;
	lr =	simm.s32 $0x1  }
0x2: {  	[smem:$0x3F99] =	sst lr;
	_ =	strace $0xD0000000  }
0x3: {  	_ = 	snop  }
0x4: {  	_ = 	snop  }
0x5: {  	_ = 	snop  }
0x6: {  	_ = 	snop  }
0x7: {  	_ = 	snop  }
__scs_overlays_trampoline_lowered:
0x8: {  	[smem:$0x3FA8] =	sst s0  }
0x9: {  	[smem:$0x3FA9] =	sst s1  }
0xa: {  	[smem:$0x3FAA] =	sst s2  }
0xb: {  	[smem:$0x3FAB] =	sst s3  }
0xc: {  	[smem:$0x3FAC] =	sst s4  }
0xd: {  	[smem:$0x3FAD] =	sst s5  }
0xe: {  	[smem:$0x3FAE] =	sst s6  }
0xf: {  	[smem:$0x3FAF] =	sst s7  }
0x10: {  	[smem:$0x3FB0] =	sst s8  }
0x11: {  	[smem:$0x3FB1] =	sst s9;
	s0 =	simm.s32 @!p0 $0x0  }
0x12: {  	s1 =	sld [smem:$0x3F97];
	s0 =	simm.s32 @p0 $0x1  }
0x13: {  	[smem:$0x3FB2] =	sst s0;
	s0 =	simm.s32 @!p1 $0x0  }
0x14: {  	s2 =	sld [smem:$0x3F96];
	s0 =	simm.s32 @p1 $0x1  }
0x15: {  	[smem:$0x3FB3] =	sst s0;
	s0 =	simm.s32 @!p2 $0x0  }
0x16: {  	s3 =	sld [smem:$0x3FDB];
	s0 =	simm.s32 @p2 $0x1  }
0x17: {  	s4 =	simm.s32 $0x1BF5;
	[smem:$0x3FB5] =	sst s0  }
0x18: {  	s0 =	sld [smem:$0x3F98];
	_ =	swait.ge [sflag:s4], $0x0  }
0x19: {  	s7 =	sld [smem:$0x3F99]  }
0x1a: {  	s8 =	sadd.s32 $0xFFFFE003, lr  }
0x1b: {  	s9 =	sadd.s32 $0xFFFFFEF7, lr;
	s5 =	simm.s32 $0xFFFFFFFF;
	p2 =	slt.u32 s8, $0xFFFFF086  }
0x1c: {  	p1 =	slt.u32 s9, $0xF7A;
	s5 =	simm.s32 @!p2 $0x0  }
0x1d: {  	s5 =	simm.s32 @p1 $0x1;
	p0 =	seq.s32 s7, s2  }
0x1e: {  	s7 =	smul.u32 @!p0 $0xF7A, s2;
	p2 =	seq.s32 @!p0 s5, $0x0  }
0x1f: {  	s9 =	smul.u32 $0xF7A, s1;
	s8 =	simm.s32 @!p0 $0x1BF5;
	p2 =	por !p2, p0  }
0x20: {  	[sflag:s8] =	ssyncset.s32 @!p0 $0xFFFFF086;
	s6 =	sadd.s32 @!p0 s3, s7;
	s7 =	simm.s32 @!p0 $0x108  }
0x21: {  	s3 =	sadd.s32 s3, s9;
	s6 =	sadd.s32 @!p0 $0x88, s6;
	s7 =	simm.s32 @p2 $0x1082  }
0x22: {  	[simem:s7], [sflag:s8] =	dma.local @!p0 [hbm:s6], $0xF7A  }
0x23: {  	s9 =	sor.u32 $0xD0000000, s2;
	s6 =	simm.s32 $0x108;
	_ =	swait.ge @!p0 [sflag:s8], $0x0  }
0x24: {  	s3 =	sadd.s32 $0x88, s3;
	s6 =	simm.s32 @!p1 $0x1082;
	[sflag:s4] =	ssyncset.s32 $0xFFFFF086  }
0x25: {  	[simem:s6], [sflag:s4] =	dma.local [hbm:s3], $0xF7A  }
0x26: {  	[smem:$0x3F99] =	sst s1;
	(tag) =	ssettag s2;
	_ =	strace s9  }
0x27: {  	s1 =	sld [smem:$0x3FA9]  }
0x28: {  	s2 =	sld [smem:$0x3FAA]  }
0x29: {  	s4 =	sld [smem:$0x3FAC]  }
0x2a: {  	p0 =	seq.s32 s5, $0x0;
	s5 =	sld [smem:$0x3FAD]  }
0x2b: {  	s6 =	sld [smem:$0x3FAE]  }
0x2c: {  	s7 =	sld [smem:$0x3FAF]  }
0x2d: {  	s3 =	simm.s32 $0x108;
	s8 =	sld [smem:$0x3FB0]  }
0x2e: {  	s3 =	simm.s32 @!p0 $0x1082;
	s9 =	sld [smem:$0x3FB1]  }
0x2f: {  	lr =	sadd.s32 s0, s3;
	s0 =	sld [smem:$0x3FA8]  }
0x30: {  	s3 =	sld [smem:$0x3FAB]  }
0x31: {  	[smem:$0x3FB4] =	sst s10  }
0x32: {  	s10 =	sld [smem:$0x3FB2];
	_ =	sdelay $0x3  }
0x33: {  	p0 =	seq.s32 s10, $0x1;
	s10 =	sld [smem:$0x3FB4];
	_ =	sdelay $0x3  }
0x34: {  	[smem:$0x3FB4] =	sst s10  }
0x35: {  	s10 =	sld [smem:$0x3FB3];
	_ =	sdelay $0x3  }
0x36: {  	p1 =	seq.s32 s10, $0x1;
	s10 =	sld [smem:$0x3FB4];
	_ =	sdelay $0x3  }
0x37: {  	[smem:$0x3FB4] =	sst s10  }
0x38: {  	s10 =	sld [smem:$0x3FB5]  }
0x39: {  	_ = 	snop;
	(pc) =	sbr.ind lr, $3  }
0x3a: {  	_ = 	snop  }
0x3b: {  	_ = 	snop  }
0x3c: {  	p2 =	seq.s32 s10, $0x1;
	s10 =	sld [smem:$0x3FB4]  }
0x3d: {  	_ =	shalt  }
0x3e: {  	_ =	shalt  }
0x3f: {  	_ =	shalt  }
0x40: {  	_ =	shalt  }
0x41: {  	_ =	shalt  }
0x42: {  	_ =	shalt  }
0x43: {  	_ =	shalt  }
0x44: {  	_ =	shalt  }
0x45: {  	_ =	shalt  }
0x46: {  	_ =	shalt  }
0x47: {  	_ =	shalt  }
0x48: {  	_ =	shalt  }
0x49: {  	_ =	shalt  }
0x4a: {  	_ =	shalt  }
0x4b: {  	_ =	shalt  }
0x4c: {  	_ =	shalt  }
0x4d: {  	_ =	shalt  }
0x4e: {  	_ =	shalt  }
0x4f: {  	_ =	shalt  }
0x50: {  	_ =	shalt  }
0x51: {  	_ =	shalt  }
0x52: {  	_ =	shalt  }
0x53: {  	_ =	shalt  }
0x54: {  	_ =	shalt  }
0x55: {  	_ =	shalt  }
0x56: {  	_ =	shalt  }
0x57: {  	_ =	shalt  }
0x58: {  	_ =	shalt  }
0x59: {  	_ =	shalt  }
0x5a: {  	_ =	shalt  }
0x5b: {  	_ =	shalt  }
0x5c: {  	_ =	shalt  }
0x5d: {  	_ =	shalt  }
0x5e: {  	_ =	shalt  }
0x5f: {  	_ =	shalt  }
0x60: {  	_ =	shalt  }
0x61: {  	_ =	shalt  }
0x62: {  	_ =	shalt  }
0x63: {  	_ =	shalt  }
0x64: {  	_ =	shalt  }
0x65: {  	_ =	shalt  }
0x66: {  	_ =	shalt  }
0x67: {  	_ =	shalt  }
0x68: {  	_ =	shalt  }
0x69: {  	_ =	shalt  }
0x6a: {  	_ =	shalt  }
0x6b: {  	_ =	shalt  }
0x6c: {  	_ =	shalt  }
0x6d: {  	_ =	shalt  }
0x6e: {  	_ =	shalt  }
0x6f: {  	_ =	shalt  }
0x70: {  	_ =	shalt  }
0x71: {  	_ =	shalt  }
0x72: {  	_ =	shalt  }
0x73: {  	_ =	shalt  }
0x74: {  	_ =	shalt  }
0x75: {  	_ =	shalt  }
0x76: {  	_ =	shalt  }
0x77: {  	_ =	shalt  }
0x78: {  	_ =	shalt  }
0x79: {  	_ =	shalt  }
0x7a: {  	_ =	shalt  }
0x7b: {  	_ =	shalt  }
0x7c: {  	_ =	shalt  }
0x7d: {  	_ =	shalt  }
0x7e: {  	_ =	shalt  }
0x7f: {  	_ =	shalt  }
0x80: {  	_ =	shalt  }
0x81: {  	_ =	shalt  }
0x82: {  	_ =	shalt  }
0x83: {  	_ =	shalt  }
0x84: {  	_ =	shalt  }
0x85: {  	_ =	shalt  }
0x86: {  	_ =	shalt  }
0x87: {  	_ =	shalt  }
.Lfunc_end0:
.L_simem_size_0:
called_computation.1_lowered:
.L_overlay_start_0:
0x88: {  	s2 =	sld [smem:$0x3FD9]  }
0x89: {  	s3 =	sld [smem:$0x3FFE];
	_ =	sdelay $0x1  }
0x8a: {  	s1 =	srdreg.scid  }
0x8b: {  	s0 =	sand.u32 $0x1, s1  }
0x8c: {  	s17 =	sshll.u32 s0, $0xA;
	s2 =	sadd.s32 s3, s2  }
0x8d: {  	s2 =	sadd.s32 s2, s17  }
0x8e: {  	[smem:$0x3FC0] =	sst s2  }
0x8f: {  	_ = 	snop  }
0x90: {  	s2 =	sld [smem:$0x3FD0];
	(tm) =	ssettm $0x1  }
0x91: {  	s18 =	sld [smem:$0x3FFB];
	_ =	sdelay $0x3  }
0x92: {  	_ =	strace s18  }
0x93: {  	s3 =	sld [smem:$0x3FFC];
	_ =	sdelay $0x3  }
0x94: {  	_ =	strace s3  }
0x95: {  	s3 =	sld [smem:$0x3FFD];
	_ =	sdelay $0x3  }
0x96: {  	_ =	strace s3  }
0x97: {  	_ =	strace $0x8FFFFFFF  }
0x98: {  	s19 =	sld [smem:$0x3FDB];
	_ =	sdelay $0x1  }
0x99: {  	s4 =	simm.s32 $_scs_section_size  }
0x9a: {  	s5 =	simm.s32 $_size__tile_overlayer_lowered;
	s6 =	simm.s32 $_tile_overlayer_lowered  }
0x9b: {  	s22 =	simm.s32 $0x1BFF;
	s21 =	sshll.u32 s6, $0x1;
	s3 =	sadd.s32 s4, s19  }
0x9c: {  	s7 =	simm.s32 $0x0;
	s20 =	sshll.u32 s5, $0x1;
	s5 =	sadd.s32 s21, s3  }
0x9d: {  	[timem:s7], [sflag:s22] =	dma.local [hbm:s5], s20  }
0x9e: {  	_ =	swait.ge [sflag:s22], s20  }
0x9f: {  	s4 =	ssub.s32 $0x0, s20;
	[sflag:s22] =	ssyncset.done $0x0  }
0xa0: {  	[sflag:s22] =	ssyncadd.s32 s4;
	_ =	sdelay $0x1  }
0xa1: {  	s23 =	simm.s32 $0x1B8B  }
0xa2: {  	_ =	swait.ge [sflag:s23], $0x1  }
0xa3: {  	[sflag:s23] =	ssyncset.done $0x0  }
0xa4: {  	s25 =	simm.s32 $0x1B8E;
	s24 =	sld [smem:$0x3FFE];
	[sflag:s23] =	ssyncadd.s32 $0xFFFFFFFF  }
0xa5: {  	s26 =	simm.s32 $execute0_lowered;
	[smem:$0x3FD2] =	sst s25  }
0xa6: {  	s5 =	sshll.u32 s26, $0x1;
	_ =	strace $0x80000049;
	[dreg:$0x1] =	wrdreg $0xFFFFFFFF  }
0xa7: {  	s28 =	simm.s32 $_size_execute0_lowered;
	s3 =	sadd.s32 s3, s5;
	[dreg:$0x0] =	wrdreg $0x0  }
0xa8: {  	s5 =	sshll.u32 s28, $0x1;
	[dreg:$0x2] =	wrdreg s3  }
0xa9: {  	[dreg:$0x3] =	wrdreg s5  }
0xaa: {  	[dreg:$0x4] =	wrdreg $0xC0  }
0xab: {  	_ =	task [dreg:s7], $0x5FFFF  }
0xac: {  	[dreg:$0x1] =	wrdreg $0xFFFFFFFF  }
0xad: {  	[dreg:$0x0] =	wrdreg $0x60  }
0xae: {  	[dreg:$0x2] =	wrdreg s24  }
0xaf: {  	[dreg:$0x3] =	wrdreg s2  }
0xb0: {  	[dreg:$0x4] =	wrdreg $0x0  }
0xb1: {  	[dreg:$0x5] =	wrdreg $0x9  }
0xb2: {  	_ =	task.clear_ibuf [dreg:s7], $0x6FFFF;
	_ =	strace $0x90000049  }
0xb3: {  	s29 =	simm.s32 $0x9;
	_ =	strace $0x8000004B  }
0xb4: {  	_ =	swait.ge [sflag:s29], $0x1  }
0xb5: {  	[sflag:s29] =	ssyncadd.s32 $0xFFFFFFFF  }
0xb6: {  	_ =	strace $0x9000004B  }
0xb7: {  	_ =	sfence  }
0xb8: {  	s30 =	sld [smem:$0x0];
	_ =	sdelay $0x2  }
0xb9: {  	s31 =	sshll.u32 s1, $0xD;
	s1 =	sshrl.u32 s1, $0x2  }
0xba: {  	s3 =	sand.u32 $0x4000, s31;
	s1 =	sadd.s32 s1, s30  }
0xbb: {  	s0 =	sor.u32 s3, s0;
	s1 =	sshll.u32 s1, $0x11  }
0xbc: {  	s0 =	sor.u32 s1, s0  }
0xbd: {  	s0 =	sadd.s32 $0x8F2B, s0  }
0xbe: {  	[sflag:s0] =	ssyncadd.remote.s32 $0x1  }
0xbf: {  	_ =	sfence.sel $0xFFFF  }
0xc0: {  	[dreg:$0x0] =	wrdreg $0xFFFFFFFF;
	(pc) =	sbr.abs _section_cstart, $3  }
0xc1: {  	[dreg:$0x1] =	wrdreg $0xFFFFFFFF  }
0xc2: {  	_ =	task.clear_ibuf [dreg:s7], $0x2FFFF;
	_ =	strace $0x9FFFFFFF  }
0xc3: {  	(tm) =	ssettm $0x7FFFFFFF  }
tec
execute0_lowered:
.L_overlay_start_1:
0x0: {  	(tag) =	ssettag $0x1  }
0x1: {  	s6 =	rddreg [dreg:$0x0]  }
0x2: {  	s2 =	rddreg [dreg:$0x1]  }
0x3: {  	s1 =	srdreg.scid;
	s0 =	stileid.u32  }
0x4: {  	s3 =	rddreg [dreg:$0x2];
	s4 =	simm.s32 $0x0;
	s22 =	simm.s32 $0xA000  }
0x5: {  	s23 =	simm.s32 $0x80;
	s24 =	simm.s32 $0x1;
	s25 =	simm.s32 $0x0  }
0x6: {  	s8 =	sand.u32 $0x1, s1;
	s5 =	sshll.u32 s0, $0x1;
	s1 =	rddreg [dreg:$0x3]  }
0x7: {  	[smem:$0x7FF] =	sst s4;
	s11 =	smul.u32 $0xA000, s0;
	s17 =	sadd.s32 $0x29200, s6  }
0x8: {  	s5 =	sor.u32 s8, s5;
	s7 =	ssub.s32 $0x2, s8;
	s16 =	smul.u32 $0xA0000, s8  }
0x9: {  	_ =	strace $0x8000004A;
	s5 =	smul.u32 $0x500, s5;
	s29 =	sshrl.u32 s7, $0x1  }
0xa: {  	s13 =	sadd.s32 $0x2000, s11;
	s15 =	sadd.s32 $0x4000, s11;
	s19 =	sadd.s32 $0x6000, s11  }
0xb: {  	s20 =	sadd.s32 $0x8000, s11;
	s18 =	ssub.s32 s7, s29;
	s7 =	sadd.s32 s13, s3  }
0xc: {  	s8 =	sadd.s32 s15, s3;
	s9 =	sadd.s32 s19, s3;
	s10 =	sadd.s32 s20, s3  }
0xd: {  	s14 =	sadd.s32 s11, s16;
	s21 =	sadd.s32 s16, s13;
	s15 =	sadd.s32 s16, s15  }
0xe: {  	s19 =	sadd.s32 s16, s19;
	s20 =	sadd.s32 s16, s20;
	s12 =	sadd.s32 s5, s6  }
0xf: {  	s5 =	sadd.s32 $0x15800, s6;
	s6 =	sadd.s32 s11, s3;
	s14 =	sshrl.u32 s14, $0x3  }
0x10: {  	s30 =	sshrl.u32 s21, $0x3;
	s15 =	sshrl.u32 s15, $0x3;
	s19 =	sshrl.u32 s19, $0x3  }
0x11: {  	s31 =	sshrl.u32 s20, $0x3;
	s18 =	smax.u32 s18, $0x1;
	s20 =	simm.s32 $0x2  }
0x12: {  	s21 =	simm.s32 $0xC800;
	s11 =	sadd.s32 $0x1800, s12;
	s12 =	sadd.s32 $0xB800, s12  }
0x13: {  	s13 =	sadd.s32 s17, s14;
	s14 =	sadd.s32 s17, s30;
	s15 =	sadd.s32 s17, s15  }
0x14: {  	s16 =	sadd.s32 s17, s19;
	s17 =	sadd.s32 s17, s31;
	s19 =	simm.s32 $0xF000  }
.LBB2_1:
0x15: {  	[tilespmem:s19], [sflag:$0x2] =	stream.linear.gather [hbm4b:s2+s4], $0x2000, $0x38;
	[tilespmem:$0x11000] =	vst v63  }
0x16: {  	_ =	swait.ge [sflag:s20], $0x2000  }
0x17: {  	[sflag:s20] =	ssyncset.done $0x0  }
0x18: {  	[sflag:s20] =	ssyncadd.s32 $0xFFFFE000  }
0x19: {  	[spmem:s6] =	stream.linear.scatter [tilespmem:s19], [sflag:$0x2], $0x2000, $0x38;
	[tilespmem:$0x11000] =	vst v63  }
0x1a: {  	_ =	swait.ge [sflag:s20], $0x2000  }
0x1b: {  	[sflag:s20] =	ssyncset.done $0x0  }
0x1c: {  	[sflag:s20] =	ssyncadd.s32 $0xFFFFE000  }
0x1d: {  	[spmem:s7] =	stream.linear.scatter [tilespmem:s19], [sflag:$0x2], $0x2000, $0x38;
	[tilespmem:$0x11000] =	vst v63  }
0x1e: {  	_ =	swait.ge [sflag:s20], $0x2000  }
0x1f: {  	[sflag:s20] =	ssyncset.done $0x0  }
0x20: {  	[sflag:s20] =	ssyncadd.s32 $0xFFFFE000  }
0x21: {  	[spmem:s8] =	stream.linear.scatter [tilespmem:s19], [sflag:$0x2], $0x2000, $0x38;
	[tilespmem:$0x11000] =	vst v63  }
0x22: {  	_ =	swait.ge [sflag:s20], $0x2000  }
0x23: {  	[sflag:s20] =	ssyncset.done $0x0  }
0x24: {  	[sflag:s20] =	ssyncadd.s32 $0xFFFFE000  }
0x25: {  	[spmem:s9] =	stream.linear.scatter [tilespmem:s19], [sflag:$0x2], $0x2000, $0x38;
	[tilespmem:$0x11000] =	vst v63  }
0x26: {  	_ =	swait.ge [sflag:s20], $0x2000  }
0x27: {  	[sflag:s20] =	ssyncset.done $0x0  }
0x28: {  	[sflag:s20] =	ssyncadd.s32 $0xFFFFE000  }
0x29: {  	[spmem:s10] =	stream.linear.scatter [tilespmem:s19], [sflag:$0x2], $0x2000, $0x38;
	[tilespmem:$0x11000] =	vst v63  }
0x2a: {  	_ =	swait.ge [sflag:s20], $0x2000  }
0x2b: {  	[sflag:s20] =	ssyncset.done $0x0  }
0x2c: {  	[sflag:s20] =	ssyncadd.s32 $0xFFFFE000  }
0x2d: {  	[bflag:$0x0] =	sbarrier.arrive $0xFFFF  }
0x2e: {  	[tilespmem:s21], [sflag:$0x2] =	stream.linear.gather [hbm4b:s11+s4], $0x2800, $0x38;
	[tilespmem:$0x11000] =	vst v63  }
0x2f: {  	_ =	swait.ge [sflag:s20], $0x2800  }
0x30: {  	[sflag:s20] =	ssyncset.done $0x0  }
0x31: {  	[sflag:s20] =	ssyncadd.s32 $0xFFFFD800  }
0x32: {  	[tilespmem:s22], [sflag:$0x2] =	stream.linear.gather [hbm4b:s12+s4], $0x2800, $0x38;
	[tilespmem:$0x11000] =	vst v63  }
0x33: {  	_ =	swait.ge [sflag:s20], $0x2800  }
0x34: {  	[sflag:s20] =	ssyncset.done $0x0  }
0x35: {  	s26 =	simm.s32 $0xA000;
	[sflag:s20] =	ssyncadd.s32 $0xFFFFD800  }
0x36: {  	[tilespmem:s19], [sflag:$0x1] =	stream.indirect.gather [hbm4b:s5+s23], $0x40, s26, s23, $0xb8;
	[tilespmem:$0x11000] =	vst v63  }
0x37: {  	_ =	swait.ge [sflag:s24], $0x2000  }
0x38: {  	[sflag:s24] =	ssyncset.done $0x0  }
0x39: {  	s31 =	simm.s32 $0xC800;
	[sflag:s24] =	ssyncadd.s32 $0xFFFFE000  }
0x3a: {  	[spmem:s3] =	stream.indirect.scatter.add.f32 [tilespmem:s19], [sflag:$0x2], $0x40, s31, s23, $0xb8;
	[tilespmem:$0x11000] =	vst v63  }
0x3b: {  	_ =	swait.ge [sflag:s20], $0x2000  }
0x3c: {  	s28 =	simm.s32 $0x400;
	s26 =	simm.s32 $0x80;
	[sflag:s20] =	ssyncset.done $0x0  }
.LBB2_2:
0x3d: {  	s29 =	sadd.s32 $0xA000, s26  }
0x3e: {  	[sflag:s20] =	ssyncadd.s32 $0xFFFFE000;
	s30 =	smov.u32 s28;
	s31 =	sadd.s32 $0x200, s28  }
0x3f: {  	[tilespmem:s19], [sflag:$0x1] =	stream.indirect.gather [hbm4b:s5+s23], $0x40, s29, s23, $0xb8;
	[tilespmem:$0x11000] =	vst v63  }
0x40: {  	p0 =	sne.s32 s28, $0x9E00;
	_ =	swait.ge [sflag:s24], $0x2000  }
.Ltmp0:
0x41: {  	[sflag:s24] =	ssyncset.done $0x0;
	(pc) =	sbr.rel @p0 .LBB2_2-.Ltmp0, $4  }
0x42: {  	s26 =	sadd.s32 $0xC800, s26;
	[sflag:s24] =	ssyncadd.s32 $0xFFFFE000  }
0x43: {  	[spmem:s3] =	stream.indirect.scatter.add.f32 [tilespmem:s19], [sflag:$0x2], $0x40, s26, s23, $0xb8;
	[tilespmem:$0x11000] =	vst v63  }
0x44: {  	_ =	swait.ge [sflag:s20], $0x2000  }
0x45: {  	s28 =	smov.u32 s31;
	s26 =	sshra.s32 s30, $0x2;
	[sflag:s20] =	ssyncset.done $0x0  }
0x46: {  	s28 =	sadd.s32 $0xA000, s26;
	[sflag:s20] =	ssyncadd.s32 $0xFFFFE000  }
0x47: {  	[tilespmem:s19], [sflag:$0x1] =	stream.indirect.gather [hbm4b:s5+s23], $0x40, s28, s23, $0xb8;
	[tilespmem:$0x11000] =	vst v63  }
0x48: {  	_ =	swait.ge [sflag:s24], $0x2000  }
0x49: {  	[sflag:s24] =	ssyncset.done $0x0  }
0x4a: {  	s31 =	sadd.s32 $0xC800, s26;
	[sflag:s24] =	ssyncadd.s32 $0xFFFFE000  }
0x4b: {  	[spmem:s3] =	stream.indirect.scatter.add.f32 [tilespmem:s19], [sflag:$0x2], $0x40, s31, s23, $0xb8;
	[tilespmem:$0x11000] =	vst v63  }
0x4c: {  	_ =	swait.ge [sflag:s20], $0x2000  }
0x4d: {  	[sflag:s20] =	ssyncset.done $0x0  }
0x4e: {  	[sflag:s20] =	ssyncadd.s32 $0xFFFFE000  }
0x4f: {  	[bflag:$0x0] =	sbarrier.arrive $0xFFFF  }
0x50: {  	[tilespmem:s19], [sflag:$0x2] =	stream.linear.gather [spmem:s6], $0x2000, $0x38;
	[tilespmem:$0x11000] =	vst v63  }
0x51: {  	_ =	swait.ge [sflag:s20], $0x2000  }
0x52: {  	[sflag:s20] =	ssyncset.done $0x0  }
0x53: {  	[sflag:s20] =	ssyncadd.s32 $0xFFFFE000  }
0x54: {  	[hbm4b:s13+s4] =	stream.linear.scatter [tilespmem:s19], [sflag:$0x2], $0x2000, $0x38;
	[tilespmem:$0x11000] =	vst v63  }
0x55: {  	_ =	swait.ge [sflag:s20], $0x2000  }
0x56: {  	[sflag:s20] =	ssyncset.done $0x0  }
0x57: {  	[sflag:s20] =	ssyncadd.s32 $0xFFFFE000  }
0x58: {  	[tilespmem:s19], [sflag:$0x2] =	stream.linear.gather [spmem:s7], $0x2000, $0x38;
	[tilespmem:$0x11000] =	vst v63  }
0x59: {  	_ =	swait.ge [sflag:s20], $0x2000  }
0x5a: {  	[sflag:s20] =	ssyncset.done $0x0  }
0x5b: {  	[sflag:s20] =	ssyncadd.s32 $0xFFFFE000  }
0x5c: {  	[hbm4b:s14+s4] =	stream.linear.scatter [tilespmem:s19], [sflag:$0x2], $0x2000, $0x38;
	[tilespmem:$0x11000] =	vst v63  }
0x5d: {  	_ =	swait.ge [sflag:s20], $0x2000  }
0x5e: {  	[sflag:s20] =	ssyncset.done $0x0  }
0x5f: {  	[sflag:s20] =	ssyncadd.s32 $0xFFFFE000  }
0x60: {  	[tilespmem:s19], [sflag:$0x2] =	stream.linear.gather [spmem:s8], $0x2000, $0x38;
	[tilespmem:$0x11000] =	vst v63  }
0x61: {  	_ =	swait.ge [sflag:s20], $0x2000  }
0x62: {  	[sflag:s20] =	ssyncset.done $0x0  }
0x63: {  	[sflag:s20] =	ssyncadd.s32 $0xFFFFE000  }
0x64: {  	[hbm4b:s15+s4] =	stream.linear.scatter [tilespmem:s19], [sflag:$0x2], $0x2000, $0x38;
	[tilespmem:$0x11000] =	vst v63  }
0x65: {  	_ =	swait.ge [sflag:s20], $0x2000  }
0x66: {  	[sflag:s20] =	ssyncset.done $0x0  }
0x67: {  	[sflag:s20] =	ssyncadd.s32 $0xFFFFE000  }
0x68: {  	[tilespmem:s19], [sflag:$0x2] =	stream.linear.gather [spmem:s9], $0x2000, $0x38;
	[tilespmem:$0x11000] =	vst v63  }
0x69: {  	_ =	swait.ge [sflag:s20], $0x2000  }
0x6a: {  	[sflag:s20] =	ssyncset.done $0x0  }
0x6b: {  	[sflag:s20] =	ssyncadd.s32 $0xFFFFE000  }
0x6c: {  	[hbm4b:s16+s4] =	stream.linear.scatter [tilespmem:s19], [sflag:$0x2], $0x2000, $0x38;
	[tilespmem:$0x11000] =	vst v63  }
0x6d: {  	_ =	swait.ge [sflag:s20], $0x2000  }
0x6e: {  	[sflag:s20] =	ssyncset.done $0x0  }
0x6f: {  	[sflag:s20] =	ssyncadd.s32 $0xFFFFE000  }
0x70: {  	[tilespmem:s19], [sflag:$0x2] =	stream.linear.gather [spmem:s10], $0x2000, $0x38;
	[tilespmem:$0x11000] =	vst v63  }
0x71: {  	s25 =	sadd.s32 $0x1, s25;
	_ =	swait.ge [sflag:s20], $0x2000  }
0x72: {  	p0 =	sne.s32 s25, s18;
	[sflag:s20] =	ssyncset.done $0x0  }
.Ltmp1:
0x73: {  	[sflag:s20] =	ssyncadd.s32 $0xFFFFE000;
	(pc) =	sbr.rel @p0 .LBB2_1-.Ltmp1, $4  }
0x74: {  	[hbm4b:s17+s4] =	stream.linear.scatter [tilespmem:s19], [sflag:$0x2], $0x2000, $0x38;
	[tilespmem:$0x11000] =	vst v63  }
0x75: {  	_ =	swait.ge [sflag:s20], $0x2000  }
0x76: {  	[sflag:s20] =	ssyncset.done $0x0  }
0x77: {  	[sflag:s20] =	ssyncadd.s32 $0xFFFFE000  }
0x78: {  	_ =	sfence.sel $0x180000  }
0x79: {  	[bflag:$0x0] =	sbarrier.arrive $0xFFFF  }
0x7a: {  	p0 =	sne.s32 s0, $0x0;
	_ =	strace $0x9000004A  }
0x7b: {  	s0 =	sadd.s32 @!p0 $0x100000, s1;
	[bflag:$0x2] =	sbarrier.arrive $0xFFFF  }
0x7c: {  	[sflag:s0] =	ssyncadd.tile.s32 @!p0 $0x1;
	_ =	shalt  }
.Lfunc_end2:
_tile_overlayer_lowered:
.L_overlay_start_2:
0x7d: {  	(tag) =	ssettag $0x2  }
0x7e: {  	s0 =	rddreg [dreg:$0x0];
	s2 =	stileid.u32  }
0x7f: {  	s1 =	rddreg [dreg:$0x1];
	p0 =	sne.s32 s2, $0x0  }
0x80: {  	s3 =	rddreg [dreg:$0x2];
	[bflag:$0x3] =	sbarrier.arrive $0xFFFF;
	s2 =	simm.s32 @!p0 $0x1C02  }
0x81: {  	[timem:s3], [sflag:s2] =	dma.local @!p0 [hbm:s0], s1  }
0x82: {  	s0 =	simm.s32 @!p0 $0x2  }
0x83: {  	_ =	swait.ge @!p0 [sflag:s0], s1  }
0x84: {  	s1 =	ssub.s32 @!p0 $0x0, s1;
	[sflag:s0] =	ssyncset.done @!p0 $0x0  }
0x85: {  	[sflag:s0] =	ssyncadd.s32 @!p0 s1  }
0x86: {  	[bflag:$0x3] =	sbarrier.arrive $0xFFFF  }
0x87: {  	_ =	shalt  }

// kernel: kernel.14.cloned.1.call-start
scs
__scs_entry_jumppad:
0x0: {  	(pc) =	sbr.rel $0x88, $3  }
0x1: {  	(tag) =	ssettag $0x0;
	lr =	simm.s32 $0x1  }
0x2: {  	[smem:$0x3F99] =	sst lr;
	_ =	strace $0xD0000000  }
0x3: {  	_ = 	snop  }
0x4: {  	_ = 	snop  }
0x5: {  	_ = 	snop  }
0x6: {  	_ = 	snop  }
0x7: {  	_ = 	snop  }
__scs_overlays_trampoline_lowered:
0x8: {  	[smem:$0x3FA8] =	sst s0  }
0x9: {  	[smem:$0x3FA9] =	sst s1  }
0xa: {  	[smem:$0x3FAA] =	sst s2  }
0xb: {  	[smem:$0x3FAB] =	sst s3  }
0xc: {  	[smem:$0x3FAC] =	sst s4  }
0xd: {  	[smem:$0x3FAD] =	sst s5  }
0xe: {  	[smem:$0x3FAE] =	sst s6  }
0xf: {  	[smem:$0x3FAF] =	sst s7  }
0x10: {  	[smem:$0x3FB0] =	sst s8  }
0x11: {  	[smem:$0x3FB1] =	sst s9;
	s0 =	simm.s32 @!p0 $0x0  }
0x12: {  	s1 =	sld [smem:$0x3F97];
	s0 =	simm.s32 @p0 $0x1  }
0x13: {  	[smem:$0x3FB2] =	sst s0;
	s0 =	simm.s32 @!p1 $0x0  }
0x14: {  	s2 =	sld [smem:$0x3F96];
	s0 =	simm.s32 @p1 $0x1  }
0x15: {  	[smem:$0x3FB3] =	sst s0;
	s0 =	simm.s32 @!p2 $0x0  }
0x16: {  	s3 =	sld [smem:$0x3FDB];
	s0 =	simm.s32 @p2 $0x1  }
0x17: {  	s4 =	simm.s32 $0x1BF5;
	[smem:$0x3FB5] =	sst s0  }
0x18: {  	s0 =	sld [smem:$0x3F98];
	_ =	swait.ge [sflag:s4], $0x0  }
0x19: {  	s7 =	sld [smem:$0x3F99]  }
0x1a: {  	s8 =	sadd.s32 $0xFFFFE003, lr  }
0x1b: {  	s9 =	sadd.s32 $0xFFFFFEF7, lr;
	s5 =	simm.s32 $0xFFFFFFFF;
	p2 =	slt.u32 s8, $0xFFFFF086  }
0x1c: {  	p1 =	slt.u32 s9, $0xF7A;
	s5 =	simm.s32 @!p2 $0x0  }
0x1d: {  	s5 =	simm.s32 @p1 $0x1;
	p0 =	seq.s32 s7, s2  }
0x1e: {  	s7 =	smul.u32 @!p0 $0xF7A, s2;
	p2 =	seq.s32 @!p0 s5, $0x0  }
0x1f: {  	s9 =	smul.u32 $0xF7A, s1;
	s8 =	simm.s32 @!p0 $0x1BF5;
	p2 =	por !p2, p0  }
0x20: {  	[sflag:s8] =	ssyncset.s32 @!p0 $0xFFFFF086;
	s6 =	sadd.s32 @!p0 s3, s7;
	s7 =	simm.s32 @!p0 $0x108  }
0x21: {  	s3 =	sadd.s32 s3, s9;
	s6 =	sadd.s32 @!p0 $0x88, s6;
	s7 =	simm.s32 @p2 $0x1082  }
0x22: {  	[simem:s7], [sflag:s8] =	dma.local @!p0 [hbm:s6], $0xF7A  }
0x23: {  	s9 =	sor.u32 $0xD0000000, s2;
	s6 =	simm.s32 $0x108;
	_ =	swait.ge @!p0 [sflag:s8], $0x0  }
0x24: {  	s3 =	sadd.s32 $0x88, s3;
	s6 =	simm.s32 @!p1 $0x1082;
	[sflag:s4] =	ssyncset.s32 $0xFFFFF086  }
0x25: {  	[simem:s6], [sflag:s4] =	dma.local [hbm:s3], $0xF7A  }
0x26: {  	[smem:$0x3F99] =	sst s1;
	(tag) =	ssettag s2;
	_ =	strace s9  }
0x27: {  	s1 =	sld [smem:$0x3FA9]  }
0x28: {  	s2 =	sld [smem:$0x3FAA]  }
0x29: {  	s4 =	sld [smem:$0x3FAC]  }
0x2a: {  	p0 =	seq.s32 s5, $0x0;
	s5 =	sld [smem:$0x3FAD]  }
0x2b: {  	s6 =	sld [smem:$0x3FAE]  }
0x2c: {  	s7 =	sld [smem:$0x3FAF]  }
0x2d: {  	s3 =	simm.s32 $0x108;
	s8 =	sld [smem:$0x3FB0]  }
0x2e: {  	s3 =	simm.s32 @!p0 $0x1082;
	s9 =	sld [smem:$0x3FB1]  }
0x2f: {  	lr =	sadd.s32 s0, s3;
	s0 =	sld [smem:$0x3FA8]  }
0x30: {  	s3 =	sld [smem:$0x3FAB]  }
0x31: {  	[smem:$0x3FB4] =	sst s10  }
0x32: {  	s10 =	sld [smem:$0x3FB2];
	_ =	sdelay $0x3  }
0x33: {  	p0 =	seq.s32 s10, $0x1;
	s10 =	sld [smem:$0x3FB4];
	_ =	sdelay $0x3  }
0x34: {  	[smem:$0x3FB4] =	sst s10  }
0x35: {  	s10 =	sld [smem:$0x3FB3];
	_ =	sdelay $0x3  }
0x36: {  	p1 =	seq.s32 s10, $0x1;
	s10 =	sld [smem:$0x3FB4];
	_ =	sdelay $0x3  }
0x37: {  	[smem:$0x3FB4] =	sst s10  }
0x38: {  	s10 =	sld [smem:$0x3FB5]  }
0x39: {  	_ = 	snop;
	(pc) =	sbr.ind lr, $3  }
0x3a: {  	_ = 	snop  }
0x3b: {  	_ = 	snop  }
0x3c: {  	p2 =	seq.s32 s10, $0x1;
	s10 =	sld [smem:$0x3FB4]  }
0x3d: {  	_ =	shalt  }
0x3e: {  	_ =	shalt  }
0x3f: {  	_ =	shalt  }
0x40: {  	_ =	shalt  }
0x41: {  	_ =	shalt  }
0x42: {  	_ =	shalt  }
0x43: {  	_ =	shalt  }
0x44: {  	_ =	shalt  }
0x45: {  	_ =	shalt  }
0x46: {  	_ =	shalt  }
0x47: {  	_ =	shalt  }
0x48: {  	_ =	shalt  }
0x49: {  	_ =	shalt  }
0x4a: {  	_ =	shalt  }
0x4b: {  	_ =	shalt  }
0x4c: {  	_ =	shalt  }
0x4d: {  	_ =	shalt  }
0x4e: {  	_ =	shalt  }
0x4f: {  	_ =	shalt  }
0x50: {  	_ =	shalt  }
0x51: {  	_ =	shalt  }
0x52: {  	_ =	shalt  }
0x53: {  	_ =	shalt  }
0x54: {  	_ =	shalt  }
0x55: {  	_ =	shalt  }
0x56: {  	_ =	shalt  }
0x57: {  	_ =	shalt  }
0x58: {  	_ =	shalt  }
0x59: {  	_ =	shalt  }
0x5a: {  	_ =	shalt  }
0x5b: {  	_ =	shalt  }
0x5c: {  	_ =	shalt  }
0x5d: {  	_ =	shalt  }
0x5e: {  	_ =	shalt  }
0x5f: {  	_ =	shalt  }
0x60: {  	_ =	shalt  }
0x61: {  	_ =	shalt  }
0x62: {  	_ =	shalt  }
0x63: {  	_ =	shalt  }
0x64: {  	_ =	shalt  }
0x65: {  	_ =	shalt  }
0x66: {  	_ =	shalt  }
0x67: {  	_ =	shalt  }
0x68: {  	_ =	shalt  }
0x69: {  	_ =	shalt  }
0x6a: {  	_ =	shalt  }
0x6b: {  	_ =	shalt  }
0x6c: {  	_ =	shalt  }
0x6d: {  	_ =	shalt  }
0x6e: {  	_ =	shalt  }
0x6f: {  	_ =	shalt  }
0x70: {  	_ =	shalt  }
0x71: {  	_ =	shalt  }
0x72: {  	_ =	shalt  }
0x73: {  	_ =	shalt  }
0x74: {  	_ =	shalt  }
0x75: {  	_ =	shalt  }
0x76: {  	_ =	shalt  }
0x77: {  	_ =	shalt  }
0x78: {  	_ =	shalt  }
0x79: {  	_ =	shalt  }
0x7a: {  	_ =	shalt  }
0x7b: {  	_ =	shalt  }
0x7c: {  	_ =	shalt  }
0x7d: {  	_ =	shalt  }
0x7e: {  	_ =	shalt  }
0x7f: {  	_ =	shalt  }
0x80: {  	_ =	shalt  }
0x81: {  	_ =	shalt  }
0x82: {  	_ =	shalt  }
0x83: {  	_ =	shalt  }
0x84: {  	_ =	shalt  }
0x85: {  	_ =	shalt  }
0x86: {  	_ =	shalt  }
0x87: {  	_ =	shalt  }
.Lfunc_end0:
.L_simem_size_0:
called_computation.2_lowered:
.L_overlay_start_0:
0x88: {  	s2 =	sld [smem:$0x3FD9]  }
0x89: {  	s3 =	sld [smem:$0x3FFE];
	_ =	sdelay $0x1  }
0x8a: {  	s1 =	srdreg.scid  }
0x8b: {  	s0 =	sand.u32 $0x1, s1  }
0x8c: {  	s17 =	sshll.u32 s0, $0xA;
	s2 =	sadd.s32 s3, s2  }
0x8d: {  	s2 =	sadd.s32 s2, s17  }
0x8e: {  	[smem:$0x3FC0] =	sst s2  }
0x8f: {  	_ = 	snop  }
0x90: {  	s2 =	sld [smem:$0x3FD0];
	(tm) =	ssettm $0x1  }
0x91: {  	s18 =	sld [smem:$0x3FFB];
	_ =	sdelay $0x3  }
0x92: {  	_ =	strace s18  }
0x93: {  	s3 =	sld [smem:$0x3FFC];
	_ =	sdelay $0x3  }
0x94: {  	_ =	strace s3  }
0x95: {  	s3 =	sld [smem:$0x3FFD];
	_ =	sdelay $0x3  }
0x96: {  	_ =	strace s3  }
0x97: {  	_ =	strace $0x8FFFFFFF  }
0x98: {  	s19 =	sld [smem:$0x3FDB];
	_ =	sdelay $0x1  }
0x99: {  	s4 =	simm.s32 $_scs_section_size  }
0x9a: {  	s5 =	simm.s32 $_size__tile_overlayer_lowered;
	s6 =	simm.s32 $_tile_overlayer_lowered  }
0x9b: {  	s22 =	simm.s32 $0x1BFF;
	s21 =	sshll.u32 s6, $0x1;
	s3 =	sadd.s32 s4, s19  }
0x9c: {  	s7 =	simm.s32 $0x0;
	s20 =	sshll.u32 s5, $0x1;
	s5 =	sadd.s32 s21, s3  }
0x9d: {  	[timem:s7], [sflag:s22] =	dma.local [hbm:s5], s20  }
0x9e: {  	_ =	swait.ge [sflag:s22], s20  }
0x9f: {  	s4 =	ssub.s32 $0x0, s20;
	[sflag:s22] =	ssyncset.done $0x0  }
0xa0: {  	[sflag:s22] =	ssyncadd.s32 s4;
	_ =	sdelay $0x1  }
0xa1: {  	s23 =	simm.s32 $0x1B8B  }
0xa2: {  	_ =	swait.ge [sflag:s23], $0x1  }
0xa3: {  	[sflag:s23] =	ssyncset.done $0x0  }
0xa4: {  	s25 =	simm.s32 $0x1B8E;
	s24 =	sld [smem:$0x3FFE];
	[sflag:s23] =	ssyncadd.s32 $0xFFFFFFFF  }
0xa5: {  	s26 =	simm.s32 $execute0_lowered;
	[smem:$0x3FD2] =	sst s25  }
0xa6: {  	s5 =	sshll.u32 s26, $0x1;
	_ =	strace $0x8000004C;
	[dreg:$0x1] =	wrdreg $0xFFFFFFFF  }
0xa7: {  	s28 =	simm.s32 $_size_execute0_lowered;
	s3 =	sadd.s32 s3, s5;
	[dreg:$0x0] =	wrdreg $0x0  }
0xa8: {  	s5 =	sshll.u32 s28, $0x1;
	[dreg:$0x2] =	wrdreg s3  }
0xa9: {  	[dreg:$0x3] =	wrdreg s5  }
0xaa: {  	[dreg:$0x4] =	wrdreg $0xC0  }
0xab: {  	_ =	task [dreg:s7], $0x5FFFF  }
0xac: {  	[dreg:$0x1] =	wrdreg $0xFFFFFFFF  }
0xad: {  	[dreg:$0x0] =	wrdreg $0x60  }
0xae: {  	[dreg:$0x2] =	wrdreg s24  }
0xaf: {  	[dreg:$0x3] =	wrdreg s2  }
0xb0: {  	[dreg:$0x4] =	wrdreg $0x0  }
0xb1: {  	[dreg:$0x5] =	wrdreg $0x9  }
0xb2: {  	_ =	task.clear_ibuf [dreg:s7], $0x6FFFF;
	_ =	strace $0x9000004C  }
0xb3: {  	s29 =	simm.s32 $0x9;
	_ =	strace $0x8000004E  }
0xb4: {  	_ =	swait.ge [sflag:s29], $0x1  }
0xb5: {  	[sflag:s29] =	ssyncadd.s32 $0xFFFFFFFF  }
0xb6: {  	_ =	strace $0x9000004E  }
0xb7: {  	_ =	sfence  }
0xb8: {  	s30 =	sld [smem:$0x0];
	_ =	sdelay $0x2  }
0xb9: {  	s31 =	sshll.u32 s1, $0xD;
	s1 =	sshrl.u32 s1, $0x2  }
0xba: {  	s3 =	sand.u32 $0x4000, s31;
	s1 =	sadd.s32 s1, s30  }
0xbb: {  	s0 =	sor.u32 s3, s0;
	s1 =	sshll.u32 s1, $0x11  }
0xbc: {  	s0 =	sor.u32 s1, s0  }
0xbd: {  	s0 =	sadd.s32 $0x8F2B, s0  }
0xbe: {  	[sflag:s0] =	ssyncadd.remote.s32 $0x1  }
0xbf: {  	_ =	sfence.sel $0xFFFF  }
0xc0: {  	[dreg:$0x0] =	wrdreg $0xFFFFFFFF;
	(pc) =	sbr.abs _section_cstart, $3  }
0xc1: {  	[dreg:$0x1] =	wrdreg $0xFFFFFFFF  }
0xc2: {  	_ =	task.clear_ibuf [dreg:s7], $0x2FFFF;
	_ =	strace $0x9FFFFFFF  }
0xc3: {  	(tm) =	ssettm $0x7FFFFFFF  }
tec
execute0_lowered:
.L_overlay_start_1:
0x0: {  	(tag) =	ssettag $0x1  }
0x1: {  	s6 =	rddreg [dreg:$0x0]  }
0x2: {  	s2 =	rddreg [dreg:$0x1]  }
0x3: {  	s1 =	srdreg.scid;
	s0 =	stileid.u32  }
0x4: {  	s3 =	rddreg [dreg:$0x2];
	s4 =	simm.s32 $0x0;
	s22 =	simm.s32 $0xA000  }
0x5: {  	s23 =	simm.s32 $0x80;
	s24 =	simm.s32 $0x1;
	s25 =	simm.s32 $0x0  }
0x6: {  	s8 =	sand.u32 $0x1, s1;
	s5 =	sshll.u32 s0, $0x1;
	s1 =	rddreg [dreg:$0x3]  }
0x7: {  	[smem:$0x7FF] =	sst s4;
	s11 =	smul.u32 $0xA000, s0;
	s17 =	sadd.s32 $0x29200, s6  }
0x8: {  	s5 =	sor.u32 s8, s5;
	s7 =	ssub.s32 $0x2, s8;
	s16 =	smul.u32 $0xA0000, s8  }
0x9: {  	_ =	strace $0x8000004D;
	s5 =	smul.u32 $0x500, s5;
	s29 =	sshrl.u32 s7, $0x1  }
0xa: {  	s13 =	sadd.s32 $0x2000, s11;
	s15 =	sadd.s32 $0x4000, s11;
	s19 =	sadd.s32 $0x6000, s11  }
0xb: {  	s20 =	sadd.s32 $0x8000, s11;
	s18 =	ssub.s32 s7, s29;
	s7 =	sadd.s32 s13, s3  }
0xc: {  	s8 =	sadd.s32 s15, s3;
	s9 =	sadd.s32 s19, s3;
	s10 =	sadd.s32 s20, s3  }
0xd: {  	s14 =	sadd.s32 s11, s16;
	s21 =	sadd.s32 s16, s13;
	s15 =	sadd.s32 s16, s15  }
0xe: {  	s19 =	sadd.s32 s16, s19;
	s20 =	sadd.s32 s16, s20;
	s12 =	sadd.s32 s5, s6  }
0xf: {  	s5 =	sadd.s32 $0x15800, s6;
	s6 =	sadd.s32 s11, s3;
	s14 =	sshrl.u32 s14, $0x3  }
0x10: {  	s30 =	sshrl.u32 s21, $0x3;
	s15 =	sshrl.u32 s15, $0x3;
	s19 =	sshrl.u32 s19, $0x3  }
0x11: {  	s31 =	sshrl.u32 s20, $0x3;
	s18 =	smax.u32 s18, $0x1;
	s20 =	simm.s32 $0x2  }
0x12: {  	s21 =	simm.s32 $0xC800;
	s11 =	sadd.s32 $0x1800, s12;
	s12 =	sadd.s32 $0xB800, s12  }
0x13: {  	s13 =	sadd.s32 s17, s14;
	s14 =	sadd.s32 s17, s30;
	s15 =	sadd.s32 s17, s15  }
0x14: {  	s16 =	sadd.s32 s17, s19;
	s17 =	sadd.s32 s17, s31;
	s19 =	simm.s32 $0xF000  }
.LBB2_1:
0x15: {  	[tilespmem:s19], [sflag:$0x2] =	stream.linear.gather [hbm4b:s2+s4], $0x2000, $0x38;
	[tilespmem:$0x11000] =	vst v63  }
0x16: {  	_ =	swait.ge [sflag:s20], $0x2000  }
0x17: {  	[sflag:s20] =	ssyncset.done $0x0  }
0x18: {  	[sflag:s20] =	ssyncadd.s32 $0xFFFFE000  }
0x19: {  	[spmem:s6] =	stream.linear.scatter [tilespmem:s19], [sflag:$0x2], $0x2000, $0x38;
	[tilespmem:$0x11000] =	vst v63  }
0x1a: {  	_ =	swait.ge [sflag:s20], $0x2000  }
0x1b: {  	[sflag:s20] =	ssyncset.done $0x0  }
0x1c: {  	[sflag:s20] =	ssyncadd.s32 $0xFFFFE000  }
0x1d: {  	[spmem:s7] =	stream.linear.scatter [tilespmem:s19], [sflag:$0x2], $0x2000, $0x38;
	[tilespmem:$0x11000] =	vst v63  }
0x1e: {  	_ =	swait.ge [sflag:s20], $0x2000  }
0x1f: {  	[sflag:s20] =	ssyncset.done $0x0  }
0x20: {  	[sflag:s20] =	ssyncadd.s32 $0xFFFFE000  }
0x21: {  	[spmem:s8] =	stream.linear.scatter [tilespmem:s19], [sflag:$0x2], $0x2000, $0x38;
	[tilespmem:$0x11000] =	vst v63  }
0x22: {  	_ =	swait.ge [sflag:s20], $0x2000  }
0x23: {  	[sflag:s20] =	ssyncset.done $0x0  }
0x24: {  	[sflag:s20] =	ssyncadd.s32 $0xFFFFE000  }
0x25: {  	[spmem:s9] =	stream.linear.scatter [tilespmem:s19], [sflag:$0x2], $0x2000, $0x38;
	[tilespmem:$0x11000] =	vst v63  }
0x26: {  	_ =	swait.ge [sflag:s20], $0x2000  }
0x27: {  	[sflag:s20] =	ssyncset.done $0x0  }
0x28: {  	[sflag:s20] =	ssyncadd.s32 $0xFFFFE000  }
0x29: {  	[spmem:s10] =	stream.linear.scatter [tilespmem:s19], [sflag:$0x2], $0x2000, $0x38;
	[tilespmem:$0x11000] =	vst v63  }
0x2a: {  	_ =	swait.ge [sflag:s20], $0x2000  }
0x2b: {  	[sflag:s20] =	ssyncset.done $0x0  }
0x2c: {  	[sflag:s20] =	ssyncadd.s32 $0xFFFFE000  }
0x2d: {  	[bflag:$0x0] =	sbarrier.arrive $0xFFFF  }
0x2e: {  	[tilespmem:s21], [sflag:$0x2] =	stream.linear.gather [hbm4b:s11+s4], $0x2800, $0x38;
	[tilespmem:$0x11000] =	vst v63  }
0x2f: {  	_ =	swait.ge [sflag:s20], $0x2800  }
0x30: {  	[sflag:s20] =	ssyncset.done $0x0  }
0x31: {  	[sflag:s20] =	ssyncadd.s32 $0xFFFFD800  }
0x32: {  	[tilespmem:s22], [sflag:$0x2] =	stream.linear.gather [hbm4b:s12+s4], $0x2800, $0x38;
	[tilespmem:$0x11000] =	vst v63  }
0x33: {  	_ =	swait.ge [sflag:s20], $0x2800  }
0x34: {  	[sflag:s20] =	ssyncset.done $0x0  }
0x35: {  	s26 =	simm.s32 $0xA000;
	[sflag:s20] =	ssyncadd.s32 $0xFFFFD800  }
0x36: {  	[tilespmem:s19], [sflag:$0x1] =	stream.indirect.gather [hbm4b:s5+s23], $0x40, s26, s23, $0xb8;
	[tilespmem:$0x11000] =	vst v63  }
0x37: {  	_ =	swait.ge [sflag:s24], $0x2000  }
0x38: {  	[sflag:s24] =	ssyncset.done $0x0  }
0x39: {  	s31 =	simm.s32 $0xC800;
	[sflag:s24] =	ssyncadd.s32 $0xFFFFE000  }
0x3a: {  	[spmem:s3] =	stream.indirect.scatter.add.f32 [tilespmem:s19], [sflag:$0x2], $0x40, s31, s23, $0xb8;
	[tilespmem:$0x11000] =	vst v63  }
0x3b: {  	_ =	swait.ge [sflag:s20], $0x2000  }
0x3c: {  	s28 =	simm.s32 $0x400;
	s26 =	simm.s32 $0x80;
	[sflag:s20] =	ssyncset.done $0x0  }
.LBB2_2:
0x3d: {  	s29 =	sadd.s32 $0xA000, s26  }
0x3e: {  	[sflag:s20] =	ssyncadd.s32 $0xFFFFE000;
	s30 =	smov.u32 s28;
	s31 =	sadd.s32 $0x200, s28  }
0x3f: {  	[tilespmem:s19], [sflag:$0x1] =	stream.indirect.gather [hbm4b:s5+s23], $0x40, s29, s23, $0xb8;
	[tilespmem:$0x11000] =	vst v63  }
0x40: {  	p0 =	sne.s32 s28, $0x9E00;
	_ =	swait.ge [sflag:s24], $0x2000  }
.Ltmp0:
0x41: {  	[sflag:s24] =	ssyncset.done $0x0;
	(pc) =	sbr.rel @p0 .LBB2_2-.Ltmp0, $4  }
0x42: {  	s26 =	sadd.s32 $0xC800, s26;
	[sflag:s24] =	ssyncadd.s32 $0xFFFFE000  }
0x43: {  	[spmem:s3] =	stream.indirect.scatter.add.f32 [tilespmem:s19], [sflag:$0x2], $0x40, s26, s23, $0xb8;
	[tilespmem:$0x11000] =	vst v63  }
0x44: {  	_ =	swait.ge [sflag:s20], $0x2000  }
0x45: {  	s28 =	smov.u32 s31;
	s26 =	sshra.s32 s30, $0x2;
	[sflag:s20] =	ssyncset.done $0x0  }
0x46: {  	s28 =	sadd.s32 $0xA000, s26;
	[sflag:s20] =	ssyncadd.s32 $0xFFFFE000  }
0x47: {  	[tilespmem:s19], [sflag:$0x1] =	stream.indirect.gather [hbm4b:s5+s23], $0x40, s28, s23, $0xb8;
	[tilespmem:$0x11000] =	vst v63  }
0x48: {  	_ =	swait.ge [sflag:s24], $0x2000  }
0x49: {  	[sflag:s24] =	ssyncset.done $0x0  }
0x4a: {  	s31 =	sadd.s32 $0xC800, s26;
	[sflag:s24] =	ssyncadd.s32 $0xFFFFE000  }
0x4b: {  	[spmem:s3] =	stream.indirect.scatter.add.f32 [tilespmem:s19], [sflag:$0x2], $0x40, s31, s23, $0xb8;
	[tilespmem:$0x11000] =	vst v63  }
0x4c: {  	_ =	swait.ge [sflag:s20], $0x2000  }
0x4d: {  	[sflag:s20] =	ssyncset.done $0x0  }
0x4e: {  	[sflag:s20] =	ssyncadd.s32 $0xFFFFE000  }
0x4f: {  	[bflag:$0x0] =	sbarrier.arrive $0xFFFF  }
0x50: {  	[tilespmem:s19], [sflag:$0x2] =	stream.linear.gather [spmem:s6], $0x2000, $0x38;
	[tilespmem:$0x11000] =	vst v63  }
0x51: {  	_ =	swait.ge [sflag:s20], $0x2000  }
0x52: {  	[sflag:s20] =	ssyncset.done $0x0  }
0x53: {  	[sflag:s20] =	ssyncadd.s32 $0xFFFFE000  }
0x54: {  	[hbm4b:s13+s4] =	stream.linear.scatter [tilespmem:s19], [sflag:$0x2], $0x2000, $0x38;
	[tilespmem:$0x11000] =	vst v63  }
0x55: {  	_ =	swait.ge [sflag:s20], $0x2000  }
0x56: {  	[sflag:s20] =	ssyncset.done $0x0  }
0x57: {  	[sflag:s20] =	ssyncadd.s32 $0xFFFFE000  }
0x58: {  	[tilespmem:s19], [sflag:$0x2] =	stream.linear.gather [spmem:s7], $0x2000, $0x38;
	[tilespmem:$0x11000] =	vst v63  }
0x59: {  	_ =	swait.ge [sflag:s20], $0x2000  }
0x5a: {  	[sflag:s20] =	ssyncset.done $0x0  }
0x5b: {  	[sflag:s20] =	ssyncadd.s32 $0xFFFFE000  }
0x5c: {  	[hbm4b:s14+s4] =	stream.linear.scatter [tilespmem:s19], [sflag:$0x2], $0x2000, $0x38;
	[tilespmem:$0x11000] =	vst v63  }
0x5d: {  	_ =	swait.ge [sflag:s20], $0x2000  }
0x5e: {  	[sflag:s20] =	ssyncset.done $0x0  }
0x5f: {  	[sflag:s20] =	ssyncadd.s32 $0xFFFFE000  }
0x60: {  	[tilespmem:s19], [sflag:$0x2] =	stream.linear.gather [spmem:s8], $0x2000, $0x38;
	[tilespmem:$0x11000] =	vst v63  }
0x61: {  	_ =	swait.ge [sflag:s20], $0x2000  }
0x62: {  	[sflag:s20] =	ssyncset.done $0x0  }
0x63: {  	[sflag:s20] =	ssyncadd.s32 $0xFFFFE000  }
0x64: {  	[hbm4b:s15+s4] =	stream.linear.scatter [tilespmem:s19], [sflag:$0x2], $0x2000, $0x38;
	[tilespmem:$0x11000] =	vst v63  }
0x65: {  	_ =	swait.ge [sflag:s20], $0x2000  }
0x66: {  	[sflag:s20] =	ssyncset.done $0x0  }
0x67: {  	[sflag:s20] =	ssyncadd.s32 $0xFFFFE000  }
0x68: {  	[tilespmem:s19], [sflag:$0x2] =	stream.linear.gather [spmem:s9], $0x2000, $0x38;
	[tilespmem:$0x11000] =	vst v63  }
0x69: {  	_ =	swait.ge [sflag:s20], $0x2000  }
0x6a: {  	[sflag:s20] =	ssyncset.done $0x0  }
0x6b: {  	[sflag:s20] =	ssyncadd.s32 $0xFFFFE000  }
0x6c: {  	[hbm4b:s16+s4] =	stream.linear.scatter [tilespmem:s19], [sflag:$0x2], $0x2000, $0x38;
	[tilespmem:$0x11000] =	vst v63  }
0x6d: {  	_ =	swait.ge [sflag:s20], $0x2000  }
0x6e: {  	[sflag:s20] =	ssyncset.done $0x0  }
0x6f: {  	[sflag:s20] =	ssyncadd.s32 $0xFFFFE000  }
0x70: {  	[tilespmem:s19], [sflag:$0x2] =	stream.linear.gather [spmem:s10], $0x2000, $0x38;
	[tilespmem:$0x11000] =	vst v63  }
0x71: {  	s25 =	sadd.s32 $0x1, s25;
	_ =	swait.ge [sflag:s20], $0x2000  }
0x72: {  	p0 =	sne.s32 s25, s18;
	[sflag:s20] =	ssyncset.done $0x0  }
.Ltmp1:
0x73: {  	[sflag:s20] =	ssyncadd.s32 $0xFFFFE000;
	(pc) =	sbr.rel @p0 .LBB2_1-.Ltmp1, $4  }
0x74: {  	[hbm4b:s17+s4] =	stream.linear.scatter [tilespmem:s19], [sflag:$0x2], $0x2000, $0x38;
	[tilespmem:$0x11000] =	vst v63  }
0x75: {  	_ =	swait.ge [sflag:s20], $0x2000  }
0x76: {  	[sflag:s20] =	ssyncset.done $0x0  }
0x77: {  	[sflag:s20] =	ssyncadd.s32 $0xFFFFE000  }
0x78: {  	_ =	sfence.sel $0x180000  }
0x79: {  	[bflag:$0x0] =	sbarrier.arrive $0xFFFF  }
0x7a: {  	p0 =	sne.s32 s0, $0x0;
	_ =	strace $0x9000004D  }
0x7b: {  	s0 =	sadd.s32 @!p0 $0x100000, s1;
	[bflag:$0x2] =	sbarrier.arrive $0xFFFF  }
0x7c: {  	[sflag:s0] =	ssyncadd.tile.s32 @!p0 $0x1;
	_ =	shalt  }
.Lfunc_end2:
_tile_overlayer_lowered:
.L_overlay_start_2:
0x7d: {  	(tag) =	ssettag $0x2  }
0x7e: {  	s0 =	rddreg [dreg:$0x0];
	s2 =	stileid.u32  }
0x7f: {  	s1 =	rddreg [dreg:$0x1];
	p0 =	sne.s32 s2, $0x0  }
0x80: {  	s3 =	rddreg [dreg:$0x2];
	[bflag:$0x3] =	sbarrier.arrive $0xFFFF;
	s2 =	simm.s32 @!p0 $0x1C02  }
0x81: {  	[timem:s3], [sflag:s2] =	dma.local @!p0 [hbm:s0], s1  }
0x82: {  	s0 =	simm.s32 @!p0 $0x2  }
0x83: {  	_ =	swait.ge @!p0 [sflag:s0], s1  }
0x84: {  	s1 =	ssub.s32 @!p0 $0x0, s1;
	[sflag:s0] =	ssyncset.done @!p0 $0x0  }
0x85: {  	[sflag:s0] =	ssyncadd.s32 @!p0 s1  }
0x86: {  	[bflag:$0x3] =	sbarrier.arrive $0xFFFF  }
0x87: {  	_ =	shalt  }

// kernel: kernel.8.cloned.1.call-start
scs
__scs_entry_jumppad:
0x0: {  	(pc) =	sbr.rel $0x88, $3  }
0x1: {  	(tag) =	ssettag $0x0;
	lr =	simm.s32 $0x1  }
0x2: {  	[smem:$0x3F99] =	sst lr;
	_ =	strace $0xD0000000  }
0x3: {  	_ = 	snop  }
0x4: {  	_ = 	snop  }
0x5: {  	_ = 	snop  }
0x6: {  	_ = 	snop  }
0x7: {  	_ = 	snop  }
__scs_overlays_trampoline_lowered:
0x8: {  	[smem:$0x3FA8] =	sst s0  }
0x9: {  	[smem:$0x3FA9] =	sst s1  }
0xa: {  	[smem:$0x3FAA] =	sst s2  }
0xb: {  	[smem:$0x3FAB] =	sst s3  }
0xc: {  	[smem:$0x3FAC] =	sst s4  }
0xd: {  	[smem:$0x3FAD] =	sst s5  }
0xe: {  	[smem:$0x3FAE] =	sst s6  }
0xf: {  	[smem:$0x3FAF] =	sst s7  }
0x10: {  	[smem:$0x3FB0] =	sst s8  }
0x11: {  	[smem:$0x3FB1] =	sst s9;
	s0 =	simm.s32 @!p0 $0x0  }
0x12: {  	s1 =	sld [smem:$0x3F97];
	s0 =	simm.s32 @p0 $0x1  }
0x13: {  	[smem:$0x3FB2] =	sst s0;
	s0 =	simm.s32 @!p1 $0x0  }
0x14: {  	s2 =	sld [smem:$0x3F96];
	s0 =	simm.s32 @p1 $0x1  }
0x15: {  	[smem:$0x3FB3] =	sst s0;
	s0 =	simm.s32 @!p2 $0x0  }
0x16: {  	s3 =	sld [smem:$0x3FDB];
	s0 =	simm.s32 @p2 $0x1  }
0x17: {  	s4 =	simm.s32 $0x1BF5;
	[smem:$0x3FB5] =	sst s0  }
0x18: {  	s0 =	sld [smem:$0x3F98];
	_ =	swait.ge [sflag:s4], $0x0  }
0x19: {  	s7 =	sld [smem:$0x3F99]  }
0x1a: {  	s8 =	sadd.s32 $0xFFFFE003, lr  }
0x1b: {  	s9 =	sadd.s32 $0xFFFFFEF7, lr;
	s5 =	simm.s32 $0xFFFFFFFF;
	p2 =	slt.u32 s8, $0xFFFFF086  }
0x1c: {  	p1 =	slt.u32 s9, $0xF7A;
	s5 =	simm.s32 @!p2 $0x0  }
0x1d: {  	s5 =	simm.s32 @p1 $0x1;
	p0 =	seq.s32 s7, s2  }
0x1e: {  	s7 =	smul.u32 @!p0 $0xF7A, s2;
	p2 =	seq.s32 @!p0 s5, $0x0  }
0x1f: {  	s9 =	smul.u32 $0xF7A, s1;
	s8 =	simm.s32 @!p0 $0x1BF5;
	p2 =	por !p2, p0  }
0x20: {  	[sflag:s8] =	ssyncset.s32 @!p0 $0xFFFFF086;
	s6 =	sadd.s32 @!p0 s3, s7;
	s7 =	simm.s32 @!p0 $0x108  }
0x21: {  	s3 =	sadd.s32 s3, s9;
	s6 =	sadd.s32 @!p0 $0x88, s6;
	s7 =	simm.s32 @p2 $0x1082  }
0x22: {  	[simem:s7], [sflag:s8] =	dma.local @!p0 [hbm:s6], $0xF7A  }
0x23: {  	s9 =	sor.u32 $0xD0000000, s2;
	s6 =	simm.s32 $0x108;
	_ =	swait.ge @!p0 [sflag:s8], $0x0  }
0x24: {  	s3 =	sadd.s32 $0x88, s3;
	s6 =	simm.s32 @!p1 $0x1082;
	[sflag:s4] =	ssyncset.s32 $0xFFFFF086  }
0x25: {  	[simem:s6], [sflag:s4] =	dma.local [hbm:s3], $0xF7A  }
0x26: {  	[smem:$0x3F99] =	sst s1;
	(tag) =	ssettag s2;
	_ =	strace s9  }
0x27: {  	s1 =	sld [smem:$0x3FA9]  }
0x28: {  	s2 =	sld [smem:$0x3FAA]  }
0x29: {  	s4 =	sld [smem:$0x3FAC]  }
0x2a: {  	p0 =	seq.s32 s5, $0x0;
	s5 =	sld [smem:$0x3FAD]  }
0x2b: {  	s6 =	sld [smem:$0x3FAE]  }
0x2c: {  	s7 =	sld [smem:$0x3FAF]  }
0x2d: {  	s3 =	simm.s32 $0x108;
	s8 =	sld [smem:$0x3FB0]  }
0x2e: {  	s3 =	simm.s32 @!p0 $0x1082;
	s9 =	sld [smem:$0x3FB1]  }
0x2f: {  	lr =	sadd.s32 s0, s3;
	s0 =	sld [smem:$0x3FA8]  }
0x30: {  	s3 =	sld [smem:$0x3FAB]  }
0x31: {  	[smem:$0x3FB4] =	sst s10  }
0x32: {  	s10 =	sld [smem:$0x3FB2];
	_ =	sdelay $0x3  }
0x33: {  	p0 =	seq.s32 s10, $0x1;
	s10 =	sld [smem:$0x3FB4];
	_ =	sdelay $0x3  }
0x34: {  	[smem:$0x3FB4] =	sst s10  }
0x35: {  	s10 =	sld [smem:$0x3FB3];
	_ =	sdelay $0x3  }
0x36: {  	p1 =	seq.s32 s10, $0x1;
	s10 =	sld [smem:$0x3FB4];
	_ =	sdelay $0x3  }
0x37: {  	[smem:$0x3FB4] =	sst s10  }
0x38: {  	s10 =	sld [smem:$0x3FB5]  }
0x39: {  	_ = 	snop;
	(pc) =	sbr.ind lr, $3  }
0x3a: {  	_ = 	snop  }
0x3b: {  	_ = 	snop  }
0x3c: {  	p2 =	seq.s32 s10, $0x1;
	s10 =	sld [smem:$0x3FB4]  }
0x3d: {  	_ =	shalt  }
0x3e: {  	_ =	shalt  }
0x3f: {  	_ =	shalt  }
0x40: {  	_ =	shalt  }
0x41: {  	_ =	shalt  }
0x42: {  	_ =	shalt  }
0x43: {  	_ =	shalt  }
0x44: {  	_ =	shalt  }
0x45: {  	_ =	shalt  }
0x46: {  	_ =	shalt  }
0x47: {  	_ =	shalt  }
0x48: {  	_ =	shalt  }
0x49: {  	_ =	shalt  }
0x4a: {  	_ =	shalt  }
0x4b: {  	_ =	shalt  }
0x4c: {  	_ =	shalt  }
0x4d: {  	_ =	shalt  }
0x4e: {  	_ =	shalt  }
0x4f: {  	_ =	shalt  }
0x50: {  	_ =	shalt  }
0x51: {  	_ =	shalt  }
0x52: {  	_ =	shalt  }
0x53: {  	_ =	shalt  }
0x54: {  	_ =	shalt  }
0x55: {  	_ =	shalt  }
0x56: {  	_ =	shalt  }
0x57: {  	_ =	shalt  }
0x58: {  	_ =	shalt  }
0x59: {  	_ =	shalt  }
0x5a: {  	_ =	shalt  }
0x5b: {  	_ =	shalt  }
0x5c: {  	_ =	shalt  }
0x5d: {  	_ =	shalt  }
0x5e: {  	_ =	shalt  }
0x5f: {  	_ =	shalt  }
0x60: {  	_ =	shalt  }
0x61: {  	_ =	shalt  }
0x62: {  	_ =	shalt  }
0x63: {  	_ =	shalt  }
0x64: {  	_ =	shalt  }
0x65: {  	_ =	shalt  }
0x66: {  	_ =	shalt  }
0x67: {  	_ =	shalt  }
0x68: {  	_ =	shalt  }
0x69: {  	_ =	shalt  }
0x6a: {  	_ =	shalt  }
0x6b: {  	_ =	shalt  }
0x6c: {  	_ =	shalt  }
0x6d: {  	_ =	shalt  }
0x6e: {  	_ =	shalt  }
0x6f: {  	_ =	shalt  }
0x70: {  	_ =	shalt  }
0x71: {  	_ =	shalt  }
0x72: {  	_ =	shalt  }
0x73: {  	_ =	shalt  }
0x74: {  	_ =	shalt  }
0x75: {  	_ =	shalt  }
0x76: {  	_ =	shalt  }
0x77: {  	_ =	shalt  }
0x78: {  	_ =	shalt  }
0x79: {  	_ =	shalt  }
0x7a: {  	_ =	shalt  }
0x7b: {  	_ =	shalt  }
0x7c: {  	_ =	shalt  }
0x7d: {  	_ =	shalt  }
0x7e: {  	_ =	shalt  }
0x7f: {  	_ =	shalt  }
0x80: {  	_ =	shalt  }
0x81: {  	_ =	shalt  }
0x82: {  	_ =	shalt  }
0x83: {  	_ =	shalt  }
0x84: {  	_ =	shalt  }
0x85: {  	_ =	shalt  }
0x86: {  	_ =	shalt  }
0x87: {  	_ =	shalt  }
.Lfunc_end0:
.L_simem_size_0:
called_computation_lowered:
.L_overlay_start_0:
0x88: {  	s2 =	sld [smem:$0x3FD9]  }
0x89: {  	s3 =	sld [smem:$0x3FFE];
	_ =	sdelay $0x1  }
0x8a: {  	s1 =	srdreg.scid  }
0x8b: {  	s0 =	sand.u32 $0x1, s1  }
0x8c: {  	s17 =	sshll.u32 s0, $0xA;
	s2 =	sadd.s32 s3, s2  }
0x8d: {  	s2 =	sadd.s32 s2, s17  }
0x8e: {  	[smem:$0x3FC0] =	sst s2  }
0x8f: {  	_ = 	snop  }
0x90: {  	s2 =	sld [smem:$0x3FD0];
	(tm) =	ssettm $0x1  }
0x91: {  	s18 =	sld [smem:$0x3FFB];
	_ =	sdelay $0x3  }
0x92: {  	_ =	strace s18  }
0x93: {  	s3 =	sld [smem:$0x3FFC];
	_ =	sdelay $0x3  }
0x94: {  	_ =	strace s3  }
0x95: {  	s3 =	sld [smem:$0x3FFD];
	_ =	sdelay $0x3  }
0x96: {  	_ =	strace s3  }
0x97: {  	_ =	strace $0x8FFFFFFF  }
0x98: {  	s19 =	sld [smem:$0x3FDB];
	_ =	sdelay $0x1  }
0x99: {  	s4 =	simm.s32 $_scs_section_size  }
0x9a: {  	s5 =	simm.s32 $_size__tile_overlayer_lowered;
	s6 =	simm.s32 $_tile_overlayer_lowered  }
0x9b: {  	s22 =	simm.s32 $0x1BFF;
	s21 =	sshll.u32 s6, $0x1;
	s3 =	sadd.s32 s4, s19  }
0x9c: {  	s7 =	simm.s32 $0x0;
	s20 =	sshll.u32 s5, $0x1;
	s5 =	sadd.s32 s21, s3  }
0x9d: {  	[timem:s7], [sflag:s22] =	dma.local [hbm:s5], s20  }
0x9e: {  	_ =	swait.ge [sflag:s22], s20  }
0x9f: {  	s4 =	ssub.s32 $0x0, s20;
	[sflag:s22] =	ssyncset.done $0x0  }
0xa0: {  	[sflag:s22] =	ssyncadd.s32 s4;
	_ =	sdelay $0x1  }
0xa1: {  	s23 =	simm.s32 $0x1B8B  }
0xa2: {  	_ =	swait.ge [sflag:s23], $0x1  }
0xa3: {  	[sflag:s23] =	ssyncset.done $0x0  }
0xa4: {  	s25 =	simm.s32 $0x1B8E;
	s24 =	sld [smem:$0x3FFE];
	[sflag:s23] =	ssyncadd.s32 $0xFFFFFFFF  }
0xa5: {  	s26 =	simm.s32 $execute0_lowered;
	[smem:$0x3FD2] =	sst s25  }
0xa6: {  	s5 =	sshll.u32 s26, $0x1;
	_ =	strace $0x80000046;
	[dreg:$0x1] =	wrdreg $0xFFFFFFFF  }
0xa7: {  	s28 =	simm.s32 $_size_execute0_lowered;
	s3 =	sadd.s32 s3, s5;
	[dreg:$0x0] =	wrdreg $0x0  }
0xa8: {  	s5 =	sshll.u32 s28, $0x1;
	[dreg:$0x2] =	wrdreg s3  }
0xa9: {  	[dreg:$0x3] =	wrdreg s5  }
0xaa: {  	[dreg:$0x4] =	wrdreg $0xC0  }
0xab: {  	_ =	task [dreg:s7], $0x5FFFF  }
0xac: {  	[dreg:$0x1] =	wrdreg $0xFFFFFFFF  }
0xad: {  	[dreg:$0x0] =	wrdreg $0x60  }
0xae: {  	[dreg:$0x2] =	wrdreg s24  }
0xaf: {  	[dreg:$0x3] =	wrdreg s2  }
0xb0: {  	[dreg:$0x4] =	wrdreg $0x0  }
0xb1: {  	[dreg:$0x5] =	wrdreg $0x9  }
0xb2: {  	_ =	task.clear_ibuf [dreg:s7], $0x6FFFF;
	_ =	strace $0x90000046  }
0xb3: {  	s29 =	simm.s32 $0x9;
	_ =	strace $0x80000048  }
0xb4: {  	_ =	swait.ge [sflag:s29], $0x1  }
0xb5: {  	[sflag:s29] =	ssyncadd.s32 $0xFFFFFFFF  }
0xb6: {  	_ =	strace $0x90000048  }
0xb7: {  	_ =	sfence  }
0xb8: {  	s30 =	sld [smem:$0x0];
	_ =	sdelay $0x2  }
0xb9: {  	s31 =	sshll.u32 s1, $0xD;
	s1 =	sshrl.u32 s1, $0x2  }
0xba: {  	s3 =	sand.u32 $0x4000, s31;
	s1 =	sadd.s32 s1, s30  }
0xbb: {  	s0 =	sor.u32 s3, s0;
	s1 =	sshll.u32 s1, $0x11  }
0xbc: {  	s0 =	sor.u32 s1, s0  }
0xbd: {  	s0 =	sadd.s32 $0x8F2B, s0  }
0xbe: {  	[sflag:s0] =	ssyncadd.remote.s32 $0x1  }
0xbf: {  	_ =	sfence.sel $0xFFFF  }
0xc0: {  	[dreg:$0x0] =	wrdreg $0xFFFFFFFF;
	(pc) =	sbr.abs _section_cstart, $3  }
0xc1: {  	[dreg:$0x1] =	wrdreg $0xFFFFFFFF  }
0xc2: {  	_ =	task.clear_ibuf [dreg:s7], $0x2FFFF;
	_ =	strace $0x9FFFFFFF  }
0xc3: {  	(tm) =	ssettm $0x7FFFFFFF  }
tec
execute0_lowered:
.L_overlay_start_1:
0x0: {  	(tag) =	ssettag $0x1  }
0x1: {  	s6 =	rddreg [dreg:$0x0]  }
0x2: {  	s2 =	rddreg [dreg:$0x1]  }
0x3: {  	s1 =	srdreg.scid;
	s0 =	stileid.u32  }
0x4: {  	s3 =	rddreg [dreg:$0x2];
	s4 =	simm.s32 $0x0;
	s21 =	simm.s32 $0x80  }
0x5: {  	s22 =	simm.s32 $0x0;
	s7 =	sand.u32 $0x1, s1;
	s1 =	rddreg [dreg:$0x3]  }
0x6: {  	s5 =	sshll.u32 s0, $0x1;
	[smem:$0x7FF] =	sst s4;
	s10 =	smul.u32 $0x2800, s0  }
0x7: {  	s16 =	sadd.s32 $0x15A00, s6;
	s5 =	sor.u32 s7, s5;
	s18 =	smul.u32 $0x28000, s7  }
0x8: {  	_ =	strace $0x80000047;
	s8 =	ssub.s32 $0x2, s7;
	s5 =	smul.u32 $0x500, s5  }
0x9: {  	s31 =	sshrl.u32 s8, $0x1;
	s12 =	sadd.s32 $0x800, s10;
	s14 =	sadd.s32 $0x1000, s10  }
0xa: {  	s15 =	sadd.s32 $0x1800, s10;
	s19 =	sadd.s32 $0x2000, s10;
	s17 =	ssub.s32 s8, s31  }
0xb: {  	s7 =	sadd.s32 s12, s3;
	s8 =	sadd.s32 s14, s3;
	s9 =	sadd.s32 s15, s3  }
0xc: {  	s13 =	sadd.s32 s10, s18;
	s12 =	sadd.s32 s18, s12;
	s14 =	sadd.s32 s18, s14  }
0xd: {  	s15 =	sadd.s32 s18, s15;
	s18 =	sadd.s32 s18, s19;
	s11 =	sadd.s32 s5, s6  }
0xe: {  	s5 =	sadd.s32 $0x15800, s6;
	s6 =	sadd.s32 s10, s3;
	s10 =	sadd.s32 s19, s3  }
0xf: {  	s13 =	sshrl.u32 s13, $0x3;
	s20 =	sshrl.u32 s12, $0x3;
	s14 =	sshrl.u32 s14, $0x3  }
0x10: {  	s15 =	sshrl.u32 s15, $0x3;
	s18 =	sshrl.u32 s18, $0x3;
	s17 =	smax.u32 s17, $0x1  }
0x11: {  	s19 =	simm.s32 $0x1;
	s11 =	sadd.s32 $0x1800, s11;
	s12 =	sadd.s32 s16, s13  }
0x12: {  	s13 =	sadd.s32 s16, s20;
	s14 =	sadd.s32 s16, s14;
	s15 =	sadd.s32 s16, s15  }
0x13: {  	s16 =	sadd.s32 s16, s18;
	s18 =	simm.s32 $0x5000;
	s20 =	simm.s32 $0x2800  }
.LBB2_1:
0x14: {  	[tilespmem:s18], [sflag:$0x1] =	stream.linear.gather [hbm4b:s2+s4], $0x800, $0x38;
	[tilespmem:$0x5800] =	vst v63  }
0x15: {  	_ =	swait.ge [sflag:s19], $0x800  }
0x16: {  	[sflag:s19] =	ssyncset.done $0x0  }
0x17: {  	[sflag:s19] =	ssyncadd.s32 $0xFFFFF800  }
0x18: {  	[spmem:s6] =	stream.linear.scatter [tilespmem:s18], [sflag:$0x1], $0x800, $0x38;
	[tilespmem:$0x5800] =	vst v63  }
0x19: {  	_ =	swait.ge [sflag:s19], $0x800  }
0x1a: {  	[sflag:s19] =	ssyncset.done $0x0  }
0x1b: {  	[sflag:s19] =	ssyncadd.s32 $0xFFFFF800  }
0x1c: {  	[spmem:s7] =	stream.linear.scatter [tilespmem:s18], [sflag:$0x1], $0x800, $0x38;
	[tilespmem:$0x5800] =	vst v63  }
0x1d: {  	_ =	swait.ge [sflag:s19], $0x800  }
0x1e: {  	[sflag:s19] =	ssyncset.done $0x0  }
0x1f: {  	[sflag:s19] =	ssyncadd.s32 $0xFFFFF800  }
0x20: {  	[spmem:s8] =	stream.linear.scatter [tilespmem:s18], [sflag:$0x1], $0x800, $0x38;
	[tilespmem:$0x5800] =	vst v63  }
0x21: {  	_ =	swait.ge [sflag:s19], $0x800  }
0x22: {  	[sflag:s19] =	ssyncset.done $0x0  }
0x23: {  	[sflag:s19] =	ssyncadd.s32 $0xFFFFF800  }
0x24: {  	[spmem:s9] =	stream.linear.scatter [tilespmem:s18], [sflag:$0x1], $0x800, $0x38;
	[tilespmem:$0x5800] =	vst v63  }
0x25: {  	_ =	swait.ge [sflag:s19], $0x800  }
0x26: {  	[sflag:s19] =	ssyncset.done $0x0  }
0x27: {  	[sflag:s19] =	ssyncadd.s32 $0xFFFFF800  }
0x28: {  	[spmem:s10] =	stream.linear.scatter [tilespmem:s18], [sflag:$0x1], $0x800, $0x38;
	[tilespmem:$0x5800] =	vst v63  }
0x29: {  	_ =	swait.ge [sflag:s19], $0x800  }
0x2a: {  	[sflag:s19] =	ssyncset.done $0x0  }
0x2b: {  	[sflag:s19] =	ssyncadd.s32 $0xFFFFF800  }
0x2c: {  	[bflag:$0x0] =	sbarrier.arrive $0xFFFF  }
0x2d: {  	[tilespmem:s20], [sflag:$0x1] =	stream.linear.gather [hbm4b:s11+s4], $0x2800, $0x38;
	[tilespmem:$0x5800] =	vst v63  }
0x2e: {  	_ =	swait.ge [sflag:s19], $0x2800  }
0x2f: {  	[sflag:s19] =	ssyncset.done $0x0  }
0x30: {  	[sflag:s19] =	ssyncadd.s32 $0xFFFFD800  }
0x31: {  	[tilespmem:s18], [sflag:$0x1] =	stream.linear.gather [hbm4b:s5+s4], $0x800, $0x38;
	[tilespmem:$0x5800] =	vst v63  }
0x32: {  	_ =	swait.ge [sflag:s19], $0x800  }
0x33: {  	[sflag:s19] =	ssyncset.done $0x0  }
0x34: {  	s23 =	simm.s32 $0x2800;
	[sflag:s19] =	ssyncadd.s32 $0xFFFFF800  }
0x35: {  	[spmem:s3] =	stream.indirect.scatter.add.f32 [tilespmem:s18], [sflag:$0x1], $0x10, s23, s21, $0xb8;
	[tilespmem:$0x5800] =	vst v63  }
0x36: {  	s23 =	simm.s32 $0x200;
	_ =	swait.ge [sflag:s19], $0x800  }
.LBB2_2:
0x37: {  	s24 =	sshra.s32 s23, $0x2;
	[sflag:s19] =	ssyncset.done $0x0;
	p0 =	sne.s32 s23, $0x9E00  }
.Ltmp0:
0x38: {  	s24 =	sadd.s32 $0x2800, s24;
	[sflag:s19] =	ssyncadd.s32 $0xFFFFF800;
	(pc) =	sbr.rel @p0 .LBB2_2-.Ltmp0, $3  }
0x39: {  	[spmem:s3] =	stream.indirect.scatter.add.f32 [tilespmem:s18], [sflag:$0x1], $0x10, s24, s21, $0xb8;
	[tilespmem:$0x5800] =	vst v63  }
0x3a: {  	s23 =	sadd.s32 $0x200, s23;
	_ =	sdelay $0x1  }
0x3b: {  	_ =	swait.ge [sflag:s19], $0x800  }
0x3c: {  	[sflag:s19] =	ssyncset.done $0x0  }
0x3d: {  	[sflag:s19] =	ssyncadd.s32 $0xFFFFF800  }
0x3e: {  	[bflag:$0x0] =	sbarrier.arrive $0xFFFF  }
0x3f: {  	[tilespmem:s18], [sflag:$0x1] =	stream.linear.gather [spmem:s6], $0x800, $0x38;
	[tilespmem:$0x5800] =	vst v63  }
0x40: {  	_ =	swait.ge [sflag:s19], $0x800  }
0x41: {  	[sflag:s19] =	ssyncset.done $0x0  }
0x42: {  	[sflag:s19] =	ssyncadd.s32 $0xFFFFF800  }
0x43: {  	[hbm4b:s12+s4] =	stream.linear.scatter [tilespmem:s18], [sflag:$0x1], $0x800, $0x38;
	[tilespmem:$0x5800] =	vst v63  }
0x44: {  	_ =	swait.ge [sflag:s19], $0x800  }
0x45: {  	[sflag:s19] =	ssyncset.done $0x0  }
0x46: {  	[sflag:s19] =	ssyncadd.s32 $0xFFFFF800  }
0x47: {  	[tilespmem:s18], [sflag:$0x1] =	stream.linear.gather [spmem:s7], $0x800, $0x38;
	[tilespmem:$0x5800] =	vst v63  }
0x48: {  	_ =	swait.ge [sflag:s19], $0x800  }
0x49: {  	[sflag:s19] =	ssyncset.done $0x0  }
0x4a: {  	[sflag:s19] =	ssyncadd.s32 $0xFFFFF800  }
0x4b: {  	[hbm4b:s13+s4] =	stream.linear.scatter [tilespmem:s18], [sflag:$0x1], $0x800, $0x38;
	[tilespmem:$0x5800] =	vst v63  }
0x4c: {  	_ =	swait.ge [sflag:s19], $0x800  }
0x4d: {  	[sflag:s19] =	ssyncset.done $0x0  }
0x4e: {  	[sflag:s19] =	ssyncadd.s32 $0xFFFFF800  }
0x4f: {  	[tilespmem:s18], [sflag:$0x1] =	stream.linear.gather [spmem:s8], $0x800, $0x38;
	[tilespmem:$0x5800] =	vst v63  }
0x50: {  	_ =	swait.ge [sflag:s19], $0x800  }
0x51: {  	[sflag:s19] =	ssyncset.done $0x0  }
0x52: {  	[sflag:s19] =	ssyncadd.s32 $0xFFFFF800  }
0x53: {  	[hbm4b:s14+s4] =	stream.linear.scatter [tilespmem:s18], [sflag:$0x1], $0x800, $0x38;
	[tilespmem:$0x5800] =	vst v63  }
0x54: {  	_ =	swait.ge [sflag:s19], $0x800  }
0x55: {  	[sflag:s19] =	ssyncset.done $0x0  }
0x56: {  	[sflag:s19] =	ssyncadd.s32 $0xFFFFF800  }
0x57: {  	[tilespmem:s18], [sflag:$0x1] =	stream.linear.gather [spmem:s9], $0x800, $0x38;
	[tilespmem:$0x5800] =	vst v63  }
0x58: {  	_ =	swait.ge [sflag:s19], $0x800  }
0x59: {  	[sflag:s19] =	ssyncset.done $0x0  }
0x5a: {  	[sflag:s19] =	ssyncadd.s32 $0xFFFFF800  }
0x5b: {  	[hbm4b:s15+s4] =	stream.linear.scatter [tilespmem:s18], [sflag:$0x1], $0x800, $0x38;
	[tilespmem:$0x5800] =	vst v63  }
0x5c: {  	_ =	swait.ge [sflag:s19], $0x800  }
0x5d: {  	[sflag:s19] =	ssyncset.done $0x0  }
0x5e: {  	[sflag:s19] =	ssyncadd.s32 $0xFFFFF800  }
0x5f: {  	[tilespmem:s18], [sflag:$0x1] =	stream.linear.gather [spmem:s10], $0x800, $0x38;
	[tilespmem:$0x5800] =	vst v63  }
0x60: {  	s22 =	sadd.s32 $0x1, s22;
	_ =	swait.ge [sflag:s19], $0x800  }
0x61: {  	p0 =	sne.s32 s22, s17;
	[sflag:s19] =	ssyncset.done $0x0  }
.Ltmp1:
0x62: {  	[sflag:s19] =	ssyncadd.s32 $0xFFFFF800;
	(pc) =	sbr.rel @p0 .LBB2_1-.Ltmp1, $4  }
0x63: {  	[hbm4b:s16+s4] =	stream.linear.scatter [tilespmem:s18], [sflag:$0x1], $0x800, $0x38;
	[tilespmem:$0x5800] =	vst v63  }
0x64: {  	_ =	swait.ge [sflag:s19], $0x800  }
0x65: {  	[sflag:s19] =	ssyncset.done $0x0  }
0x66: {  	[sflag:s19] =	ssyncadd.s32 $0xFFFFF800  }
0x67: {  	_ =	sfence.sel $0x180000  }
0x68: {  	[bflag:$0x0] =	sbarrier.arrive $0xFFFF  }
0x69: {  	p0 =	sne.s32 s0, $0x0;
	_ =	strace $0x90000047  }
0x6a: {  	s0 =	sadd.s32 @!p0 $0x100000, s1;
	[bflag:$0x2] =	sbarrier.arrive $0xFFFF  }
0x6b: {  	[sflag:s0] =	ssyncadd.tile.s32 @!p0 $0x1;
	_ =	shalt  }
.Lfunc_end2:
_tile_overlayer_lowered:
.L_overlay_start_2:
0x6c: {  	(tag) =	ssettag $0x2  }
0x6d: {  	s0 =	rddreg [dreg:$0x0];
	s2 =	stileid.u32  }
0x6e: {  	s1 =	rddreg [dreg:$0x1];
	p0 =	sne.s32 s2, $0x0  }
0x6f: {  	s3 =	rddreg [dreg:$0x2];
	[bflag:$0x3] =	sbarrier.arrive $0xFFFF;
	s2 =	simm.s32 @!p0 $0x1C01  }
0x70: {  	[timem:s3], [sflag:s2] =	dma.local @!p0 [hbm:s0], s1  }
0x71: {  	s0 =	simm.s32 @!p0 $0x1  }
0x72: {  	_ =	swait.ge @!p0 [sflag:s0], s1  }
0x73: {  	s1 =	ssub.s32 @!p0 $0x0, s1;
	[sflag:s0] =	ssyncset.done @!p0 $0x0  }
0x74: {  	[sflag:s0] =	ssyncadd.s32 @!p0 s1  }
0x75: {  	[bflag:$0x3] =	sbarrier.arrive $0xFFFF  }
0x76: {  	_ =	shalt  }

</sc_bundles>
